<compile_context>
chip_gen: v7x
topology: tpu7x:2x2x1
jax: 0.10.2.dev20260603
libtpu: 0.0.44.dev20260713+nightly
codegen_flags: <defaults>
</compile_context>

<pallas_src>
import functools

import jax
import jax.numpy as jnp
from jax import lax
from jax.experimental import pallas as pl
from jax.experimental.pallas import tpu as pltpu
from jax.experimental.pallas import tpu_sc as plsc

B = 16384
D = 3072
N_AC = 36
AC_SLOT = 23
AC_BASE = 8196
AC_ROWS = N_AC * AC_SLOT
AC_PAD = 832

_NC = 2
_NS = 16
_NW = _NC * _NS
_CH = 16
_NSLICE = 2
_BS = B // _NSLICE
_B_PER_W = _BS // _NW
_NCH = _B_PER_W // _CH


def _sc_gather(idx3, table):
    mesh = plsc.VectorSubcoreMesh(core_axis_name="c", subcore_axis_name="s")

    @functools.partial(
        pl.kernel,
        mesh=mesh,
        out_type=jax.ShapeDtypeStruct((_BS, D), jnp.float32),
        scratch_types=[
            pltpu.VMEM((_NCH, _CH), jnp.int32),
            pltpu.VMEM((2, _CH, D), jnp.float32),
            pltpu.SemaphoreType.DMA,
            pltpu.SemaphoreType.DMA,
        ],
    )
    def k(idx_hbm, table_hbm, out_hbm, idx_v, buf_v, gsem, osem):
        wid = lax.axis_index("s") * _NC + lax.axis_index("c")
        base = wid * _B_PER_W
        pltpu.sync_copy(idx_hbm.at[wid], idx_v)
        pltpu.async_copy(table_hbm.at[idx_v.at[0]], buf_v.at[0], gsem)

        def body(g, carry):
            slot = lax.rem(g, 2)
            nxt = 1 - slot

            @pl.when(g >= 1)
            def _():
                pltpu.make_async_copy(
                    buf_v.at[nxt], out_hbm.at[pl.ds(base + (g - 1) * _CH, _CH)], osem
                ).wait()

            @pl.when(g + 1 < _NCH)
            def _():
                pltpu.async_copy(table_hbm.at[idx_v.at[g + 1]], buf_v.at[nxt], gsem)

            pltpu.make_async_copy(table_hbm.at[idx_v.at[g]], buf_v.at[slot], gsem).wait()
            pltpu.async_copy(buf_v.at[slot], out_hbm.at[pl.ds(base + g * _CH, _CH)], osem)
            return carry

        lax.fori_loop(0, _NCH, body, 0)
        pltpu.make_async_copy(
            buf_v.at[(_NCH - 1) % 2],
            out_hbm.at[pl.ds(base + (_NCH - 1) * _CH, _CH)],
            osem,
        ).wait()

    return k(idx3, table)


_TB = 256


def _combine_body(codes_ref, s_ref, tac_ref, o_ref):
    codes = codes_ref[...].astype(jnp.float32)
    s = s_ref[...].astype(jnp.float32)
    i_of = lax.broadcasted_iota(jnp.int32, (N_AC, AC_PAD), 0)
    j_of = lax.broadcasted_iota(jnp.int32, (N_AC, AC_PAD), 1)
    rep_mat = (i_of == j_of // AC_SLOT).astype(jnp.float32)
    rep = jnp.dot(codes, rep_mat, preferred_element_type=jnp.float32)
    m = (lax.broadcasted_iota(jnp.int32, (_TB, AC_PAD), 1) % AC_SLOT)
    oh = (rep == m.astype(jnp.float32)).astype(jnp.bfloat16)
    ac = jnp.dot(oh, tac_ref[...], preferred_element_type=jnp.float32)
    o_ref[...] = (s + ac)[:, None, :]


def _combine_body_chained(codes_ref, s_ref, tac_ref, prev_ref, o_ref):
    del prev_ref
    _combine_body(codes_ref, s_ref, tac_ref, o_ref)


def _tc_combine(codes, s, tac, blk0, prev=None):
    grid = (_BS // _TB,)
    in_specs = [
        pl.BlockSpec((_TB, N_AC), lambda i: (i, 0)),
        pl.BlockSpec((_TB, D), lambda i: (i, 0)),
        pl.BlockSpec((AC_PAD, D), lambda i: (0, 0)),
    ]
    args = [codes, s, tac]
    body = _combine_body
    aliases = {}
    if prev is not None:
        in_specs.append(pl.BlockSpec(memory_space=pl.ANY))
        args.append(prev)
        body = _combine_body_chained
        aliases = {3: 0}
    return pl.pallas_call(
        body,
        grid=grid,
        in_specs=in_specs,
        out_specs=pl.BlockSpec((_TB, 1, D), lambda i: (i + blk0, 0, 0)),
        out_shape=jax.ShapeDtypeStruct((B, 1, D), jnp.float32),
        input_output_aliases=aliases,
        compiler_params=pltpu.CompilerParams(
            dimension_semantics=("arbitrary",),
        ),
    )(*args)


def kernel(semantic_code, acoustic_codes, table):
    sem_idx = semantic_code.reshape(B).astype(jnp.int32) + 2
    codes = acoustic_codes.astype(jnp.int32)
    tac = jnp.concatenate(
        [
            table[AC_BASE : AC_BASE + AC_ROWS],
            jnp.zeros((AC_PAD - AC_ROWS, D), jnp.float32),
        ]
    ).astype(jnp.bfloat16)
    s_slices = [
        _sc_gather(
            sem_idx[k * _BS : (k + 1) * _BS].reshape(_NW, _NCH, _CH), table
        )
        for k in range(_NSLICE)
    ]
    out = None
    for k in range(_NSLICE):
        out = _tc_combine(
            codes[k * _BS : (k + 1) * _BS],
            s_slices[k],
            tac,
            k * (_BS // _TB),
            prev=out,
        )
    return out

# --- scband reference (transcript-rebuilt; emitter-appended) ---
"""Pipeline reference for scband-audio-embeddings-75935021793796 (READ-ONLY COPY).

The authoritative reference and input builder live on the scoring server;
editing this copy changes nothing except your own understanding.
"""

import jax, jax.numpy as jnp
import numpy as np

BATCH = 16384
DIM = 3072
N_SPECIAL = 2
SEM_RAW = 8192
AC_RAW = 21
N_AC = 36
SEM_SLOT = SEM_RAW + N_SPECIAL            # 8194
AC_SLOT = AC_RAW + N_SPECIAL              # 23
TOTAL = SEM_SLOT + N_AC * AC_SLOT         # 9022
PADDED = 128 * ((TOTAL + 127) // 128)     # 9088


def setup_inputs(seed: int = 0) -> dict:
    key = jax.random.key(seed)
    k1, k2, k3 = jax.random.split(key, 3)
    semantic_code = jax.random.randint(k1, (BATCH, 1), 0, SEM_RAW)
    acoustic_codes = jax.random.randint(k2, (BATCH, N_AC), 0, AC_RAW)
    table = jax.random.normal(k3, (PADDED, DIM), dtype=jnp.float32) * 0.02
    return {"semantic_code": semantic_code, "acoustic_codes": acoustic_codes, "table": table}


def reference(semantic_code, acoustic_codes, table):
    # semantic lookup (shift by +2 to skip special tokens)
    sem_idx = semantic_code + N_SPECIAL                     # (B, 1)
    emb = jnp.take(table, sem_idx, axis=0)                  # (B, 1, DIM)
    # acoustic lookups: each codebook i has its own offset into the flat table
    offsets = SEM_SLOT + jnp.arange(N_AC) * AC_SLOT + N_SPECIAL  # (36,)
    ac_idx = acoustic_codes + offsets[None, :]              # (B, 36)
    ac_emb = jnp.take(table, ac_idx, axis=0)                # (B, 36, DIM)
    emb = emb + jnp.sum(ac_emb, axis=1, keepdims=True)      # (B, 1, DIM)
    return emb

if __name__ == "__main__":
    import jax
    _d = setup_inputs()
    print(jax.jit(kernel)(*tuple(_d.values())))

</pallas_src>

<mosaic_0001>
#map = affine_map<(d0, d1) -> (0, 0, 0)>
#map1 = affine_map<(d0, d1) -> (0, 0)>
module attributes {stable_mosaic.version = 14 : i64} {
  func.func @k(%arg0: i32, %arg1: i32, %arg2: memref<32x16x16xi32, #tpu.memory_space<hbm>>, %arg3: memref<9088x3072xf32, #tpu.memory_space<hbm>>, %arg4: memref<8192x3072xf32, #tpu.memory_space<hbm>>, %arg5: memref<16x16xi32, #tpu.memory_space<vmem>>, %arg6: memref<2x16x3072xf32, #tpu.memory_space<vmem>>, %arg7: memref<!tpu.dma_semaphore, #tpu.memory_space<semaphore_mem>>, %arg8: memref<!tpu.dma_semaphore, #tpu.memory_space<semaphore_mem>>) attributes {dimension_semantics = [#tpu.dimension_semantics<core_parallel>, #tpu.dimension_semantics<subcore_parallel>], iteration_bounds = array<i64: 2, 16>, scalar_prefetch = 0 : i64, scratch_operands = 4 : i64, tpu.core_type = #tpu.core_type<sc_vector_subcore>, window_params = [{transform_indices = #map}, {transform_indices = #map1}, {transform_indices = #map1}]} {
    %mul3A = arith.constant 2 : i32
    %mul3A_0 = arith.muli %arg1, %mul3A : i32
    %add3A = arith.addi %mul3A_0, %arg0 : i32
    %mul3A_1 = arith.constant 256 : i32
    %mul3A_2 = arith.muli %add3A, %mul3A_1 : i32
    "tpu.region"() ({
      %run_scoped3A = tpu.sem_alloc : memref<!tpu.dma_semaphore, #tpu.memory_space<semaphore_mem>>
      %dma_start3A_33 = arith.constant 0 : i32
      %dma_start3A_34 = arith.constant 0 : i32
      %dma_start3A_35 = tpu.memref_slice %arg2[%add3A, %dma_start3A_33, %dma_start3A_34] : memref<32x16x16xi32, #tpu.memory_space<hbm>> -> memref<1x16x16xi32, #tpu.memory_space<hbm>>
      %dma_start3A_36 = tpu.memref_squeeze %dma_start3A_35 : memref<1x16x16xi32, #tpu.memory_space<hbm>> -> memref<16x16xi32, #tpu.memory_space<hbm>>
      %dma_start3A_37 = arith.constant 0 : i32
      %dma_start3A_38 = arith.constant 0 : i32
      %dma_start3A_39 = tpu.memref_slice %arg2[%add3A, %dma_start3A_37, %dma_start3A_38] : memref<32x16x16xi32, #tpu.memory_space<hbm>> -> memref<1x16x16xi32, #tpu.memory_space<hbm>>
      %dma_start3A_40 = tpu.memref_squeeze %dma_start3A_39 : memref<1x16x16xi32, #tpu.memory_space<hbm>> -> memref<16x16xi32, #tpu.memory_space<hbm>>
      tpu.enqueue_dma source(%dma_start3A_40 : memref<16x16xi32, #tpu.memory_space<hbm>>) target(%arg5 : memref<16x16xi32, #tpu.memory_space<vmem>>) target_semaphore(%run_scoped3A : memref<!tpu.dma_semaphore, #tpu.memory_space<semaphore_mem>>)
      %dma_wait3A_41 = arith.constant 0 : i32
      %dma_wait3A_42 = arith.constant 0 : i32
      %dma_wait3A_43 = tpu.memref_slice %arg2[%add3A, %dma_wait3A_41, %dma_wait3A_42] : memref<32x16x16xi32, #tpu.memory_space<hbm>> -> memref<1x16x16xi32, #tpu.memory_space<hbm>>
      %dma_wait3A_44 = tpu.memref_squeeze %dma_wait3A_43 : memref<1x16x16xi32, #tpu.memory_space<hbm>> -> memref<16x16xi32, #tpu.memory_space<hbm>>
      %dma_wait3A_45 = arith.constant 0 : i32
      %dma_wait3A_46 = arith.constant 0 : i32
      %dma_wait3A_47 = tpu.memref_slice %arg2[%add3A, %dma_wait3A_45, %dma_wait3A_46] : memref<32x16x16xi32, #tpu.memory_space<hbm>> -> memref<1x16x16xi32, #tpu.memory_space<hbm>>
      %dma_wait3A_48 = tpu.memref_squeeze %dma_wait3A_47 : memref<1x16x16xi32, #tpu.memory_space<hbm>> -> memref<16x16xi32, #tpu.memory_space<hbm>>
      tpu.wait_dma2 semaphore(%run_scoped3A : memref<!tpu.dma_semaphore, #tpu.memory_space<semaphore_mem>>) src(%dma_wait3A_48 : memref<16x16xi32, #tpu.memory_space<hbm>>) dst(%arg5 : memref<16x16xi32, #tpu.memory_space<vmem>>)
      tpu.yield
    }) : () -> ()
    %dma_start3A = arith.constant 0 : i32
    %dma_start3A_3 = arith.constant 0 : i32
    %dma_start3A_4 = arith.constant 0 : i32
    %dma_start3A_5 = arith.constant 0 : i32
    %dma_start3A_6 = tpu.memref_slice %arg6[%dma_start3A_3, %dma_start3A_4, %dma_start3A_5] : memref<2x16x3072xf32, #tpu.memory_space<vmem>> -> memref<1x16x3072xf32, #tpu.memory_space<vmem>>
    %dma_start3A_7 = tpu.memref_squeeze %dma_start3A_6 : memref<1x16x3072xf32, #tpu.memory_space<vmem>> -> memref<16x3072xf32, #tpu.memory_space<vmem>>
    %dma_start3A_8 = arith.constant 0 : i32
    %dma_start3A_9 = tpu.memref_slice %arg5[%dma_start3A, %dma_start3A_8] : memref<16x16xi32, #tpu.memory_space<vmem>> -> memref<1x16xi32, #tpu.memory_space<vmem>>
    %dma_start3A_10 = tpu.memref_squeeze %dma_start3A_9 : memref<1x16xi32, #tpu.memory_space<vmem>> -> memref<16xi32, #tpu.memory_space<vmem>>
    %dma_start3A_11 = arith.constant 0 : i32
    %dma_start3A_12 = arith.constant 0 : i32
    %dma_start3A_13 = tpu.memref_slice %arg3[%dma_start3A_11, %dma_start3A_12] : memref<9088x3072xf32, #tpu.memory_space<hbm>> -> memref<9088x3072xf32, #tpu.memory_space<hbm>>
    tpu.enqueue_indirect_dma source(%dma_start3A_13 : memref<9088x3072xf32, #tpu.memory_space<hbm>>) target(%dma_start3A_7 : memref<16x3072xf32, #tpu.memory_space<vmem>>) offsets(%dma_start3A_10 : memref<16xi32, #tpu.memory_space<vmem>>) semaphore(%arg7 : memref<!tpu.dma_semaphore, #tpu.memory_space<semaphore_mem>>)
    %scan3A = arith.constant 0 : i32
    %scan3A_14 = arith.constant 0 : i32
    %scan3A_15 = arith.constant 16 : i32
    %scan3A_16 = arith.addi %scan3A_14, %scan3A_15 : i32
    %scan3A_17 = arith.constant 1 : i32
    scf.for %scan3A_33 = %scan3A_14 to %scan3A_16 step %scan3A_17  : i32 {
      %rem3A = arith.constant 2 : i32
      %rem3A_34 = arith.remsi %scan3A_33, %rem3A : i32
      %sub3A = arith.constant 1 : i32
      %sub3A_35 = arith.subi %sub3A, %rem3A_34 : i32
      %ge3A = arith.constant 1 : i32
      %ge3A_36 = arith.cmpi sge, %scan3A_33, %ge3A : i32
      %convert_element_type3A = arith.extui %ge3A_36 : i1 to i32
      %cond3A = arith.constant 0 : i32
      %cond3A_37 = arith.cmpi ne, %convert_element_type3A, %cond3A : i32
      scf.if %cond3A_37 {
        %sub3A_69 = arith.constant 1 : i32
        %sub3A_70 = arith.subi %scan3A_33, %sub3A_69 : i32
        %mul3A_71 = arith.constant 16 : i32
        %mul3A_72 = arith.muli %sub3A_70, %mul3A_71 : i32
        %add3A_73 = arith.addi %mul3A_2, %mul3A_72 : i32
        %dma_wait3A_74 = arith.constant 0 : i32
        %dma_wait3A_75 = arith.constant 0 : i32
        %dma_wait3A_76 = tpu.memref_slice %arg6[%sub3A_35, %dma_wait3A_74, %dma_wait3A_75] : memref<2x16x3072xf32, #tpu.memory_space<vmem>> -> memref<1x16x3072xf32, #tpu.memory_space<vmem>>
        %dma_wait3A_77 = tpu.memref_squeeze %dma_wait3A_76 : memref<1x16x3072xf32, #tpu.memory_space<vmem>> -> memref<16x3072xf32, #tpu.memory_space<vmem>>
        %dma_wait3A_78 = arith.constant 0 : i32
        %dma_wait3A_79 = tpu.memref_slice %arg4[%add3A_73, %dma_wait3A_78] : memref<8192x3072xf32, #tpu.memory_space<hbm>> -> memref<16x3072xf32, #tpu.memory_space<hbm>>
        %dma_wait3A_80 = arith.constant 0 : i32
        %dma_wait3A_81 = tpu.memref_slice %arg4[%add3A_73, %dma_wait3A_80] : memref<8192x3072xf32, #tpu.memory_space<hbm>> -> memref<16x3072xf32, #tpu.memory_space<hbm>>
        %dma_wait3A_82 = arith.constant 0 : i32
        %dma_wait3A_83 = arith.constant 0 : i32
        %dma_wait3A_84 = tpu.memref_slice %arg6[%sub3A_35, %dma_wait3A_82, %dma_wait3A_83] : memref<2x16x3072xf32, #tpu.memory_space<vmem>> -> memref<1x16x3072xf32, #tpu.memory_space<vmem>>
        %dma_wait3A_85 = tpu.memref_squeeze %dma_wait3A_84 : memref<1x16x3072xf32, #tpu.memory_space<vmem>> -> memref<16x3072xf32, #tpu.memory_space<vmem>>
        tpu.wait_dma2 semaphore(%arg8 : memref<!tpu.dma_semaphore, #tpu.memory_space<semaphore_mem>>) src(%dma_wait3A_85 : memref<16x3072xf32, #tpu.memory_space<vmem>>) dst(%dma_wait3A_81 : memref<16x3072xf32, #tpu.memory_space<hbm>>)
      } else {
      }
      %add3A_38 = arith.constant 1 : i32
      %add3A_39 = arith.addi %scan3A_33, %add3A_38 : i32
      %lt3A = arith.constant 16 : i32
      %lt3A_40 = arith.cmpi slt, %add3A_39, %lt3A : i32
      %convert_element_type3A_41 = arith.extui %lt3A_40 : i1 to i32
      %cond3A_42 = arith.constant 0 : i32
      %cond3A_43 = arith.cmpi ne, %convert_element_type3A_41, %cond3A_42 : i32
      scf.if %cond3A_43 {
        %add3A_69 = arith.constant 1 : i32
        %add3A_70 = arith.addi %scan3A_33, %add3A_69 : i32
        %dma_start3A_71 = arith.constant 0 : i32
        %dma_start3A_72 = arith.constant 0 : i32
        %dma_start3A_73 = tpu.memref_slice %arg6[%sub3A_35, %dma_start3A_71, %dma_start3A_72] : memref<2x16x3072xf32, #tpu.memory_space<vmem>> -> memref<1x16x3072xf32, #tpu.memory_space<vmem>>
        %dma_start3A_74 = tpu.memref_squeeze %dma_start3A_73 : memref<1x16x3072xf32, #tpu.memory_space<vmem>> -> memref<16x3072xf32, #tpu.memory_space<vmem>>
        %dma_start3A_75 = arith.constant 0 : i32
        %dma_start3A_76 = tpu.memref_slice %arg5[%add3A_70, %dma_start3A_75] : memref<16x16xi32, #tpu.memory_space<vmem>> -> memref<1x16xi32, #tpu.memory_space<vmem>>
        %dma_start3A_77 = tpu.memref_squeeze %dma_start3A_76 : memref<1x16xi32, #tpu.memory_space<vmem>> -> memref<16xi32, #tpu.memory_space<vmem>>
        %dma_start3A_78 = arith.constant 0 : i32
        %dma_start3A_79 = arith.constant 0 : i32
        %dma_start3A_80 = tpu.memref_slice %arg3[%dma_start3A_78, %dma_start3A_79] : memref<9088x3072xf32, #tpu.memory_space<hbm>> -> memref<9088x3072xf32, #tpu.memory_space<hbm>>
        tpu.enqueue_indirect_dma source(%dma_start3A_80 : memref<9088x3072xf32, #tpu.memory_space<hbm>>) target(%dma_start3A_74 : memref<16x3072xf32, #tpu.memory_space<vmem>>) offsets(%dma_start3A_77 : memref<16xi32, #tpu.memory_space<vmem>>) semaphore(%arg7 : memref<!tpu.dma_semaphore, #tpu.memory_space<semaphore_mem>>)
      } else {
      }
      %dma_wait3A_44 = arith.constant 0 : i32
      %dma_wait3A_45 = arith.constant 0 : i32
      %dma_wait3A_46 = tpu.memref_slice %arg6[%rem3A_34, %dma_wait3A_44, %dma_wait3A_45] : memref<2x16x3072xf32, #tpu.memory_space<vmem>> -> memref<1x16x3072xf32, #tpu.memory_space<vmem>>
      %dma_wait3A_47 = tpu.memref_squeeze %dma_wait3A_46 : memref<1x16x3072xf32, #tpu.memory_space<vmem>> -> memref<16x3072xf32, #tpu.memory_space<vmem>>
      %dma_wait3A_48 = arith.constant 0 : i32
      %dma_wait3A_49 = tpu.memref_slice %arg5[%scan3A_33, %dma_wait3A_48] : memref<16x16xi32, #tpu.memory_space<vmem>> -> memref<1x16xi32, #tpu.memory_space<vmem>>
      %dma_wait3A_50 = tpu.memref_squeeze %dma_wait3A_49 : memref<1x16xi32, #tpu.memory_space<vmem>> -> memref<16xi32, #tpu.memory_space<vmem>>
      %dma_wait3A_51 = arith.constant 0 : i32
      %dma_wait3A_52 = arith.constant 0 : i32
      %dma_wait3A_53 = tpu.memref_slice %arg3[%dma_wait3A_51, %dma_wait3A_52] : memref<9088x3072xf32, #tpu.memory_space<hbm>> -> memref<9088x3072xf32, #tpu.memory_space<hbm>>
      tpu.wait_indirect_dma semaphore(%arg7 : memref<!tpu.dma_semaphore, #tpu.memory_space<semaphore_mem>>) src(%dma_wait3A_53 : memref<9088x3072xf32, #tpu.memory_space<hbm>>) dst(%dma_wait3A_47 : memref<16x3072xf32, #tpu.memory_space<vmem>>)
      %mul3A_54 = arith.constant 16 : i32
      %mul3A_55 = arith.muli %scan3A_33, %mul3A_54 : i32
      %add3A_56 = arith.addi %mul3A_2, %mul3A_55 : i32
      %dma_start3A_57 = arith.constant 0 : i32
      %dma_start3A_58 = arith.constant 0 : i32
      %dma_start3A_59 = tpu.memref_slice %arg6[%rem3A_34, %dma_start3A_57, %dma_start3A_58] : memref<2x16x3072xf32, #tpu.memory_space<vmem>> -> memref<1x16x3072xf32, #tpu.memory_space<vmem>>
      %dma_start3A_60 = tpu.memref_squeeze %dma_start3A_59 : memref<1x16x3072xf32, #tpu.memory_space<vmem>> -> memref<16x3072xf32, #tpu.memory_space<vmem>>
      %dma_start3A_61 = arith.constant 0 : i32
      %dma_start3A_62 = tpu.memref_slice %arg4[%add3A_56, %dma_start3A_61] : memref<8192x3072xf32, #tpu.memory_space<hbm>> -> memref<16x3072xf32, #tpu.memory_space<hbm>>
      %dma_start3A_63 = arith.constant 0 : i32
      %dma_start3A_64 = tpu.memref_slice %arg4[%add3A_56, %dma_start3A_63] : memref<8192x3072xf32, #tpu.memory_space<hbm>> -> memref<16x3072xf32, #tpu.memory_space<hbm>>
      %dma_start3A_65 = arith.constant 0 : i32
      %dma_start3A_66 = arith.constant 0 : i32
      %dma_start3A_67 = tpu.memref_slice %arg6[%rem3A_34, %dma_start3A_65, %dma_start3A_66] : memref<2x16x3072xf32, #tpu.memory_space<vmem>> -> memref<1x16x3072xf32, #tpu.memory_space<vmem>>
      %dma_start3A_68 = tpu.memref_squeeze %dma_start3A_67 : memref<1x16x3072xf32, #tpu.memory_space<vmem>> -> memref<16x3072xf32, #tpu.memory_space<vmem>>
      tpu.enqueue_dma source(%dma_start3A_68 : memref<16x3072xf32, #tpu.memory_space<vmem>>) target(%dma_start3A_64 : memref<16x3072xf32, #tpu.memory_space<hbm>>) target_semaphore(%arg8 : memref<!tpu.dma_semaphore, #tpu.memory_space<semaphore_mem>>)
    }
    %scan3A_18 = arith.constant 16 : i32
    %add3A_19 = arith.constant 240 : i32
    %add3A_20 = arith.addi %mul3A_2, %add3A_19 : i32
    %dma_wait3A = arith.constant 1 : i32
    %dma_wait3A_21 = arith.constant 0 : i32
    %dma_wait3A_22 = arith.constant 0 : i32
    %dma_wait3A_23 = tpu.memref_slice %arg6[%dma_wait3A, %dma_wait3A_21, %dma_wait3A_22] : memref<2x16x3072xf32, #tpu.memory_space<vmem>> -> memref<1x16x3072xf32, #tpu.memory_space<vmem>>
    %dma_wait3A_24 = tpu.memref_squeeze %dma_wait3A_23 : memref<1x16x3072xf32, #tpu.memory_space<vmem>> -> memref<16x3072xf32, #tpu.memory_space<vmem>>
    %dma_wait3A_25 = arith.constant 0 : i32
    %dma_wait3A_26 = tpu.memref_slice %arg4[%add3A_20, %dma_wait3A_25] : memref<8192x3072xf32, #tpu.memory_space<hbm>> -> memref<16x3072xf32, #tpu.memory_space<hbm>>
    %dma_wait3A_27 = arith.constant 0 : i32
    %dma_wait3A_28 = tpu.memref_slice %arg4[%add3A_20, %dma_wait3A_27] : memref<8192x3072xf32, #tpu.memory_space<hbm>> -> memref<16x3072xf32, #tpu.memory_space<hbm>>
    %dma_wait3A_29 = arith.constant 0 : i32
    %dma_wait3A_30 = arith.constant 0 : i32
    %dma_wait3A_31 = tpu.memref_slice %arg6[%dma_wait3A, %dma_wait3A_29, %dma_wait3A_30] : memref<2x16x3072xf32, #tpu.memory_space<vmem>> -> memref<1x16x3072xf32, #tpu.memory_space<vmem>>
    %dma_wait3A_32 = tpu.memref_squeeze %dma_wait3A_31 : memref<1x16x3072xf32, #tpu.memory_space<vmem>> -> memref<16x3072xf32, #tpu.memory_space<vmem>>
    tpu.wait_dma2 semaphore(%arg8 : memref<!tpu.dma_semaphore, #tpu.memory_space<semaphore_mem>>) src(%dma_wait3A_32 : memref<16x3072xf32, #tpu.memory_space<vmem>>) dst(%dma_wait3A_28 : memref<16x3072xf32, #tpu.memory_space<hbm>>)
    return
  }
}

#map = affine_map<(d0, d1) -> (0, 0, 0)>
#map1 = affine_map<(d0, d1) -> (0, 0)>
module attributes {stable_mosaic.version = 14 : i64} {
  func.func @k(%arg0: i32, %arg1: i32, %arg2: memref<32x16x16xi32, #tpu.memory_space<hbm>>, %arg3: memref<9088x3072xf32, #tpu.memory_space<hbm>>, %arg4: memref<8192x3072xf32, #tpu.memory_space<hbm>>, %arg5: memref<16x16xi32, #tpu.memory_space<vmem>>, %arg6: memref<2x16x3072xf32, #tpu.memory_space<vmem>>, %arg7: memref<!tpu.dma_semaphore, #tpu.memory_space<semaphore_mem>>, %arg8: memref<!tpu.dma_semaphore, #tpu.memory_space<semaphore_mem>>) attributes {dimension_semantics = [#tpu.dimension_semantics<core_parallel>, #tpu.dimension_semantics<subcore_parallel>], iteration_bounds = array<i64: 2, 16>, scalar_prefetch = 0 : i64, scratch_operands = 4 : i64, tpu.core_type = #tpu.core_type<sc_vector_subcore>, window_params = [{transform_indices = #map}, {transform_indices = #map1}, {transform_indices = #map1}]} {
    %mul3A = arith.constant 2 : i32
    %mul3A_0 = arith.muli %arg1, %mul3A : i32
    %add3A = arith.addi %mul3A_0, %arg0 : i32
    %mul3A_1 = arith.constant 256 : i32
    %mul3A_2 = arith.muli %add3A, %mul3A_1 : i32
    "tpu.region"() ({
      %run_scoped3A = tpu.sem_alloc : memref<!tpu.dma_semaphore, #tpu.memory_space<semaphore_mem>>
      %dma_start3A_33 = arith.constant 0 : i32
      %dma_start3A_34 = arith.constant 0 : i32
      %dma_start3A_35 = tpu.memref_slice %arg2[%add3A, %dma_start3A_33, %dma_start3A_34] : memref<32x16x16xi32, #tpu.memory_space<hbm>> -> memref<1x16x16xi32, #tpu.memory_space<hbm>>
      %dma_start3A_36 = tpu.memref_squeeze %dma_start3A_35 : memref<1x16x16xi32, #tpu.memory_space<hbm>> -> memref<16x16xi32, #tpu.memory_space<hbm>>
      %dma_start3A_37 = arith.constant 0 : i32
      %dma_start3A_38 = arith.constant 0 : i32
      %dma_start3A_39 = tpu.memref_slice %arg2[%add3A, %dma_start3A_37, %dma_start3A_38] : memref<32x16x16xi32, #tpu.memory_space<hbm>> -> memref<1x16x16xi32, #tpu.memory_space<hbm>>
      %dma_start3A_40 = tpu.memref_squeeze %dma_start3A_39 : memref<1x16x16xi32, #tpu.memory_space<hbm>> -> memref<16x16xi32, #tpu.memory_space<hbm>>
      tpu.enqueue_dma source(%dma_start3A_40 : memref<16x16xi32, #tpu.memory_space<hbm>>) target(%arg5 : memref<16x16xi32, #tpu.memory_space<vmem>>) target_semaphore(%run_scoped3A : memref<!tpu.dma_semaphore, #tpu.memory_space<semaphore_mem>>)
      %dma_wait3A_41 = arith.constant 0 : i32
      %dma_wait3A_42 = arith.constant 0 : i32
      %dma_wait3A_43 = tpu.memref_slice %arg2[%add3A, %dma_wait3A_41, %dma_wait3A_42] : memref<32x16x16xi32, #tpu.memory_space<hbm>> -> memref<1x16x16xi32, #tpu.memory_space<hbm>>
      %dma_wait3A_44 = tpu.memref_squeeze %dma_wait3A_43 : memref<1x16x16xi32, #tpu.memory_space<hbm>> -> memref<16x16xi32, #tpu.memory_space<hbm>>
      %dma_wait3A_45 = arith.constant 0 : i32
      %dma_wait3A_46 = arith.constant 0 : i32
      %dma_wait3A_47 = tpu.memref_slice %arg2[%add3A, %dma_wait3A_45, %dma_wait3A_46] : memref<32x16x16xi32, #tpu.memory_space<hbm>> -> memref<1x16x16xi32, #tpu.memory_space<hbm>>
      %dma_wait3A_48 = tpu.memref_squeeze %dma_wait3A_47 : memref<1x16x16xi32, #tpu.memory_space<hbm>> -> memref<16x16xi32, #tpu.memory_space<hbm>>
      tpu.wait_dma2 semaphore(%run_scoped3A : memref<!tpu.dma_semaphore, #tpu.memory_space<semaphore_mem>>) src(%dma_wait3A_48 : memref<16x16xi32, #tpu.memory_space<hbm>>) dst(%arg5 : memref<16x16xi32, #tpu.memory_space<vmem>>)
      tpu.yield
    }) : () -> ()
    %dma_start3A = arith.constant 0 : i32
    %dma_start3A_3 = arith.constant 0 : i32
    %dma_start3A_4 = arith.constant 0 : i32
    %dma_start3A_5 = arith.constant 0 : i32
    %dma_start3A_6 = tpu.memref_slice %arg6[%dma_start3A_3, %dma_start3A_4, %dma_start3A_5] : memref<2x16x3072xf32, #tpu.memory_space<vmem>> -> memref<1x16x3072xf32, #tpu.memory_space<vmem>>
    %dma_start3A_7 = tpu.memref_squeeze %dma_start3A_6 : memref<1x16x3072xf32, #tpu.memory_space<vmem>> -> memref<16x3072xf32, #tpu.memory_space<vmem>>
    %dma_start3A_8 = arith.constant 0 : i32
    %dma_start3A_9 = tpu.memref_slice %arg5[%dma_start3A, %dma_start3A_8] : memref<16x16xi32, #tpu.memory_space<vmem>> -> memref<1x16xi32, #tpu.memory_space<vmem>>
    %dma_start3A_10 = tpu.memref_squeeze %dma_start3A_9 : memref<1x16xi32, #tpu.memory_space<vmem>> -> memref<16xi32, #tpu.memory_space<vmem>>
    %dma_start3A_11 = arith.constant 0 : i32
    %dma_start3A_12 = arith.constant 0 : i32
    %dma_start3A_13 = tpu.memref_slice %arg3[%dma_start3A_11, %dma_start3A_12] : memref<9088x3072xf32, #tpu.memory_space<hbm>> -> memref<9088x3072xf32, #tpu.memory_space<hbm>>
    tpu.enqueue_indirect_dma source(%dma_start3A_13 : memref<9088x3072xf32, #tpu.memory_space<hbm>>) target(%dma_start3A_7 : memref<16x3072xf32, #tpu.memory_space<vmem>>) offsets(%dma_start3A_10 : memref<16xi32, #tpu.memory_space<vmem>>) semaphore(%arg7 : memref<!tpu.dma_semaphore, #tpu.memory_space<semaphore_mem>>)
    %scan3A = arith.constant 0 : i32
    %scan3A_14 = arith.constant 0 : i32
    %scan3A_15 = arith.constant 16 : i32
    %scan3A_16 = arith.addi %scan3A_14, %scan3A_15 : i32
    %scan3A_17 = arith.constant 1 : i32
    scf.for %scan3A_33 = %scan3A_14 to %scan3A_16 step %scan3A_17  : i32 {
      %rem3A = arith.constant 2 : i32
      %rem3A_34 = arith.remsi %scan3A_33, %rem3A : i32
      %sub3A = arith.constant 1 : i32
      %sub3A_35 = arith.subi %sub3A, %rem3A_34 : i32
      %ge3A = arith.constant 1 : i32
      %ge3A_36 = arith.cmpi sge, %scan3A_33, %ge3A : i32
      %convert_element_type3A = arith.extui %ge3A_36 : i1 to i32
      %cond3A = arith.constant 0 : i32
      %cond3A_37 = arith.cmpi ne, %convert_element_type3A, %cond3A : i32
      scf.if %cond3A_37 {
        %sub3A_69 = arith.constant 1 : i32
        %sub3A_70 = arith.subi %scan3A_33, %sub3A_69 : i32
        %mul3A_71 = arith.constant 16 : i32
        %mul3A_72 = arith.muli %sub3A_70, %mul3A_71 : i32
        %add3A_73 = arith.addi %mul3A_2, %mul3A_72 : i32
        %dma_wait3A_74 = arith.constant 0 : i32
        %dma_wait3A_75 = arith.constant 0 : i32
        %dma_wait3A_76 = tpu.memref_slice %arg6[%sub3A_35, %dma_wait3A_74, %dma_wait3A_75] : memref<2x16x3072xf32, #tpu.memory_space<vmem>> -> memref<1x16x3072xf32, #tpu.memory_space<vmem>>
        %dma_wait3A_77 = tpu.memref_squeeze %dma_wait3A_76 : memref<1x16x3072xf32, #tpu.memory_space<vmem>> -> memref<16x3072xf32, #tpu.memory_space<vmem>>
        %dma_wait3A_78 = arith.constant 0 : i32
        %dma_wait3A_79 = tpu.memref_slice %arg4[%add3A_73, %dma_wait3A_78] : memref<8192x3072xf32, #tpu.memory_space<hbm>> -> memref<16x3072xf32, #tpu.memory_space<hbm>>
        %dma_wait3A_80 = arith.constant 0 : i32
        %dma_wait3A_81 = tpu.memref_slice %arg4[%add3A_73, %dma_wait3A_80] : memref<8192x3072xf32, #tpu.memory_space<hbm>> -> memref<16x3072xf32, #tpu.memory_space<hbm>>
        %dma_wait3A_82 = arith.constant 0 : i32
        %dma_wait3A_83 = arith.constant 0 : i32
        %dma_wait3A_84 = tpu.memref_slice %arg6[%sub3A_35, %dma_wait3A_82, %dma_wait3A_83] : memref<2x16x3072xf32, #tpu.memory_space<vmem>> -> memref<1x16x3072xf32, #tpu.memory_space<vmem>>
        %dma_wait3A_85 = tpu.memref_squeeze %dma_wait3A_84 : memref<1x16x3072xf32, #tpu.memory_space<vmem>> -> memref<16x3072xf32, #tpu.memory_space<vmem>>
        tpu.wait_dma2 semaphore(%arg8 : memref<!tpu.dma_semaphore, #tpu.memory_space<semaphore_mem>>) src(%dma_wait3A_85 : memref<16x3072xf32, #tpu.memory_space<vmem>>) dst(%dma_wait3A_81 : memref<16x3072xf32, #tpu.memory_space<hbm>>)
      } else {
      }
      %add3A_38 = arith.constant 1 : i32
      %add3A_39 = arith.addi %scan3A_33, %add3A_38 : i32
      %lt3A = arith.constant 16 : i32
      %lt3A_40 = arith.cmpi slt, %add3A_39, %lt3A : i32
      %convert_element_type3A_41 = arith.extui %lt3A_40 : i1 to i32
      %cond3A_42 = arith.constant 0 : i32
      %cond3A_43 = arith.cmpi ne, %convert_element_type3A_41, %cond3A_42 : i32
      scf.if %cond3A_43 {
        %add3A_69 = arith.constant 1 : i32
        %add3A_70 = arith.addi %scan3A_33, %add3A_69 : i32
        %dma_start3A_71 = arith.constant 0 : i32
        %dma_start3A_72 = arith.constant 0 : i32
        %dma_start3A_73 = tpu.memref_slice %arg6[%sub3A_35, %dma_start3A_71, %dma_start3A_72] : memref<2x16x3072xf32, #tpu.memory_space<vmem>> -> memref<1x16x3072xf32, #tpu.memory_space<vmem>>
        %dma_start3A_74 = tpu.memref_squeeze %dma_start3A_73 : memref<1x16x3072xf32, #tpu.memory_space<vmem>> -> memref<16x3072xf32, #tpu.memory_space<vmem>>
        %dma_start3A_75 = arith.constant 0 : i32
        %dma_start3A_76 = tpu.memref_slice %arg5[%add3A_70, %dma_start3A_75] : memref<16x16xi32, #tpu.memory_space<vmem>> -> memref<1x16xi32, #tpu.memory_space<vmem>>
        %dma_start3A_77 = tpu.memref_squeeze %dma_start3A_76 : memref<1x16xi32, #tpu.memory_space<vmem>> -> memref<16xi32, #tpu.memory_space<vmem>>
        %dma_start3A_78 = arith.constant 0 : i32
        %dma_start3A_79 = arith.constant 0 : i32
        %dma_start3A_80 = tpu.memref_slice %arg3[%dma_start3A_78, %dma_start3A_79] : memref<9088x3072xf32, #tpu.memory_space<hbm>> -> memref<9088x3072xf32, #tpu.memory_space<hbm>>
        tpu.enqueue_indirect_dma source(%dma_start3A_80 : memref<9088x3072xf32, #tpu.memory_space<hbm>>) target(%dma_start3A_74 : memref<16x3072xf32, #tpu.memory_space<vmem>>) offsets(%dma_start3A_77 : memref<16xi32, #tpu.memory_space<vmem>>) semaphore(%arg7 : memref<!tpu.dma_semaphore, #tpu.memory_space<semaphore_mem>>)
      } else {
      }
      %dma_wait3A_44 = arith.constant 0 : i32
      %dma_wait3A_45 = arith.constant 0 : i32
      %dma_wait3A_46 = tpu.memref_slice %arg6[%rem3A_34, %dma_wait3A_44, %dma_wait3A_45] : memref<2x16x3072xf32, #tpu.memory_space<vmem>> -> memref<1x16x3072xf32, #tpu.memory_space<vmem>>
      %dma_wait3A_47 = tpu.memref_squeeze %dma_wait3A_46 : memref<1x16x3072xf32, #tpu.memory_space<vmem>> -> memref<16x3072xf32, #tpu.memory_space<vmem>>
      %dma_wait3A_48 = arith.constant 0 : i32
      %dma_wait3A_49 = tpu.memref_slice %arg5[%scan3A_33, %dma_wait3A_48] : memref<16x16xi32, #tpu.memory_space<vmem>> -> memref<1x16xi32, #tpu.memory_space<vmem>>
      %dma_wait3A_50 = tpu.memref_squeeze %dma_wait3A_49 : memref<1x16xi32, #tpu.memory_space<vmem>> -> memref<16xi32, #tpu.memory_space<vmem>>
      %dma_wait3A_51 = arith.constant 0 : i32
      %dma_wait3A_52 = arith.constant 0 : i32
      %dma_wait3A_53 = tpu.memref_slice %arg3[%dma_wait3A_51, %dma_wait3A_52] : memref<9088x3072xf32, #tpu.memory_space<hbm>> -> memref<9088x3072xf32, #tpu.memory_space<hbm>>
      tpu.wait_indirect_dma semaphore(%arg7 : memref<!tpu.dma_semaphore, #tpu.memory_space<semaphore_mem>>) src(%dma_wait3A_53 : memref<9088x3072xf32, #tpu.memory_space<hbm>>) dst(%dma_wait3A_47 : memref<16x3072xf32, #tpu.memory_space<vmem>>)
      %mul3A_54 = arith.constant 16 : i32
      %mul3A_55 = arith.muli %scan3A_33, %mul3A_54 : i32
      %add3A_56 = arith.addi %mul3A_2, %mul3A_55 : i32
      %dma_start3A_57 = arith.constant 0 : i32
      %dma_start3A_58 = arith.constant 0 : i32
      %dma_start3A_59 = tpu.memref_slice %arg6[%rem3A_34, %dma_start3A_57, %dma_start3A_58] : memref<2x16x3072xf32, #tpu.memory_space<vmem>> -> memref<1x16x3072xf32, #tpu.memory_space<vmem>>
      %dma_start3A_60 = tpu.memref_squeeze %dma_start3A_59 : memref<1x16x3072xf32, #tpu.memory_space<vmem>> -> memref<16x3072xf32, #tpu.memory_space<vmem>>
      %dma_start3A_61 = arith.constant 0 : i32
      %dma_start3A_62 = tpu.memref_slice %arg4[%add3A_56, %dma_start3A_61] : memref<8192x3072xf32, #tpu.memory_space<hbm>> -> memref<16x3072xf32, #tpu.memory_space<hbm>>
      %dma_start3A_63 = arith.constant 0 : i32
      %dma_start3A_64 = tpu.memref_slice %arg4[%add3A_56, %dma_start3A_63] : memref<8192x3072xf32, #tpu.memory_space<hbm>> -> memref<16x3072xf32, #tpu.memory_space<hbm>>
      %dma_start3A_65 = arith.constant 0 : i32
      %dma_start3A_66 = arith.constant 0 : i32
      %dma_start3A_67 = tpu.memref_slice %arg6[%rem3A_34, %dma_start3A_65, %dma_start3A_66] : memref<2x16x3072xf32, #tpu.memory_space<vmem>> -> memref<1x16x3072xf32, #tpu.memory_space<vmem>>
      %dma_start3A_68 = tpu.memref_squeeze %dma_start3A_67 : memref<1x16x3072xf32, #tpu.memory_space<vmem>> -> memref<16x3072xf32, #tpu.memory_space<vmem>>
      tpu.enqueue_dma source(%dma_start3A_68 : memref<16x3072xf32, #tpu.memory_space<vmem>>) target(%dma_start3A_64 : memref<16x3072xf32, #tpu.memory_space<hbm>>) target_semaphore(%arg8 : memref<!tpu.dma_semaphore, #tpu.memory_space<semaphore_mem>>)
    }
    %scan3A_18 = arith.constant 16 : i32
    %add3A_19 = arith.constant 240 : i32
    %add3A_20 = arith.addi %mul3A_2, %add3A_19 : i32
    %dma_wait3A = arith.constant 1 : i32
    %dma_wait3A_21 = arith.constant 0 : i32
    %dma_wait3A_22 = arith.constant 0 : i32
    %dma_wait3A_23 = tpu.memref_slice %arg6[%dma_wait3A, %dma_wait3A_21, %dma_wait3A_22] : memref<2x16x3072xf32, #tpu.memory_space<vmem>> -> memref<1x16x3072xf32, #tpu.memory_space<vmem>>
    %dma_wait3A_24 = tpu.memref_squeeze %dma_wait3A_23 : memref<1x16x3072xf32, #tpu.memory_space<vmem>> -> memref<16x3072xf32, #tpu.memory_space<vmem>>
    %dma_wait3A_25 = arith.constant 0 : i32
    %dma_wait3A_26 = tpu.memref_slice %arg4[%add3A_20, %dma_wait3A_25] : memref<8192x3072xf32, #tpu.memory_space<hbm>> -> memref<16x3072xf32, #tpu.memory_space<hbm>>
    %dma_wait3A_27 = arith.constant 0 : i32
    %dma_wait3A_28 = tpu.memref_slice %arg4[%add3A_20, %dma_wait3A_27] : memref<8192x3072xf32, #tpu.memory_space<hbm>> -> memref<16x3072xf32, #tpu.memory_space<hbm>>
    %dma_wait3A_29 = arith.constant 0 : i32
    %dma_wait3A_30 = arith.constant 0 : i32
    %dma_wait3A_31 = tpu.memref_slice %arg6[%dma_wait3A, %dma_wait3A_29, %dma_wait3A_30] : memref<2x16x3072xf32, #tpu.memory_space<vmem>> -> memref<1x16x3072xf32, #tpu.memory_space<vmem>>
    %dma_wait3A_32 = tpu.memref_squeeze %dma_wait3A_31 : memref<1x16x3072xf32, #tpu.memory_space<vmem>> -> memref<16x3072xf32, #tpu.memory_space<vmem>>
    tpu.wait_dma2 semaphore(%arg8 : memref<!tpu.dma_semaphore, #tpu.memory_space<semaphore_mem>>) src(%dma_wait3A_32 : memref<16x3072xf32, #tpu.memory_space<vmem>>) dst(%dma_wait3A_28 : memref<16x3072xf32, #tpu.memory_space<hbm>>)
    return
  }
}

module attributes {stable_mosaic.version = 14 : i64} {
  func.func @_combine_body(%arg0: i32, %arg1: memref<256x36xi32, #tpu.memory_space<vmem>>, %arg2: memref<256x3072xf32, #tpu.memory_space<vmem>>, %arg3: memref<832x3072xbf16, #tpu.memory_space<vmem>>, %arg4: memref<256x1x3072xf32, #tpu.memory_space<vmem>>) attributes {dimension_semantics = [#tpu.dimension_semantics<arbitrary>], iteration_bounds = array<i64: 32>, scalar_prefetch = 0 : i64, scratch_operands = 0 : i64, tpu.core_type = #tpu.core_type<tc>, window_params = [{transform_indices = @transform_0, window_bounds = array<i64: 256, 36>}, {transform_indices = @transform_1, window_bounds = array<i64: 256, 3072>}, {pipeline_mode = #tpu.pipeline_mode<synchronous>, transform_indices = @transform_2, window_bounds = array<i64: 832, 3072>}, {transform_indices = @transform_3, window_bounds = array<i64: 256, 1, 3072>}]} {
    %get3A = arith.constant 0 : index
    %get3A_0 = arith.constant 0 : index
    %get3A_1 = vector.load %arg1[%get3A, %get3A_0] : memref<256x36xi32, #tpu.memory_space<vmem>>, vector<256x36xi32>
    %convert_element_type3A = arith.sitofp %get3A_1 : vector<256x36xi32> to vector<256x36xf32>
    %get3A_2 = arith.constant 0 : index
    %get3A_3 = arith.constant 0 : index
    %get3A_4 = vector.load %arg2[%get3A_2, %get3A_3] : memref<256x3072xf32, #tpu.memory_space<vmem>>, vector<256x3072xf32>
    %iota3A = tpu.iota {dimensions = array<i32: 0>} : vector<36x832xi32>
    %iota3A_5 = tpu.iota {dimensions = array<i32: 1>} : vector<36x832xi32>
    %jit3A = arith.constant 23 : i32
    %div3A = vector.broadcast %jit3A : i32 to vector<36x832xi32>
    %div3A_6 = arith.divsi %iota3A_5, %div3A : vector<36x832xi32>
    %sign3A = arith.constant 0 : i32
    %sign3A_7 = vector.broadcast %sign3A : i32 to vector<36x832xi32>
    %sign3A_8 = arith.cmpi sgt, %iota3A_5, %sign3A_7 : vector<36x832xi32>
    %sign3A_9 = arith.extui %sign3A_8 : vector<36x832xi1> to vector<36x832xi32>
    %sign3A_10 = arith.constant 0 : i32
    %sign3A_11 = vector.broadcast %sign3A_10 : i32 to vector<36x832xi32>
    %sign3A_12 = arith.cmpi slt, %iota3A_5, %sign3A_11 : vector<36x832xi32>
    %sign3A_13 = arith.extui %sign3A_12 : vector<36x832xi1> to vector<36x832xi32>
    %sign3A_14 = arith.subi %sign3A_9, %sign3A_13 : vector<36x832xi32>
    %sign3A_15 = arith.constant 0 : i32
    %sign3A_16 = arith.cmpi sgt, %jit3A, %sign3A_15 : i32
    %sign3A_17 = arith.extui %sign3A_16 : i1 to i32
    %sign3A_18 = arith.constant 0 : i32
    %sign3A_19 = arith.cmpi slt, %jit3A, %sign3A_18 : i32
    %sign3A_20 = arith.extui %sign3A_19 : i1 to i32
    %sign3A_21 = arith.subi %sign3A_17, %sign3A_20 : i32
    %ne3A = vector.broadcast %sign3A_21 : i32 to vector<36x832xi32>
    %ne3A_22 = arith.cmpi ne, %sign3A_14, %ne3A : vector<36x832xi32>
    %rem3A = vector.broadcast %jit3A : i32 to vector<36x832xi32>
    %rem3A_23 = arith.remsi %iota3A_5, %rem3A : vector<36x832xi32>
    %ne3A_24 = arith.constant 0 : i32
    %ne3A_25 = vector.broadcast %ne3A_24 : i32 to vector<36x832xi32>
    %ne3A_26 = arith.cmpi ne, %rem3A_23, %ne3A_25 : vector<36x832xi32>
    %and3A = arith.andi %ne3A_22, %ne3A_26 : vector<36x832xi1>
    %sub3A = arith.constant 1 : i32
    %sub3A_27 = vector.broadcast %sub3A : i32 to vector<36x832xi32>
    %sub3A_28 = arith.subi %div3A_6, %sub3A_27 : vector<36x832xi32>
    %select_n3A = arith.select %and3A, %sub3A_28, %div3A_6 : vector<36x832xi1>, vector<36x832xi32>
    %eq3A = arith.cmpi eq, %iota3A, %select_n3A : vector<36x832xi32>
    %convert_element_type3A_29 = arith.extui %eq3A : vector<36x832xi1> to vector<36x832xi32>
    %convert_element_type3A_30 = arith.sitofp %convert_element_type3A_29 : vector<36x832xi32> to vector<36x832xf32>
    %dot_general3A = arith.constant dense<0.000000e+00> : vector<256x832xf32>
    %dot_general3A_31 = tpu.matmul %convert_element_type3A, %convert_element_type3A_30, %dot_general3A {dimension_numbers = #tpu.dot_dimension_numbers<[1], [0], [0], [1], [0, 0, 1, 1], [], []>, transpose_lhs_hint = false} : vector<256x36xf32>, vector<36x832xf32>, vector<256x832xf32> -> vector<256x832xf32>
    %iota3A_32 = tpu.iota {dimensions = array<i32: 1>} : vector<256x832xi32>
    %jit3A_33 = arith.constant 23 : i32
    %eq3A_34 = arith.constant 0 : i32
    %eq3A_35 = arith.cmpi eq, %jit3A_33, %eq3A_34 : i32
    %jit3A_36 = arith.constant 1 : i32
    %select_n3A_37 = arith.select %eq3A_35, %jit3A_36, %jit3A_33 : i32
    %rem3A_38 = vector.broadcast %select_n3A_37 : i32 to vector<256x832xi32>
    %rem3A_39 = arith.remsi %iota3A_32, %rem3A_38 : vector<256x832xi32>
    %ne3A_40 = arith.constant 0 : i32
    %ne3A_41 = vector.broadcast %ne3A_40 : i32 to vector<256x832xi32>
    %ne3A_42 = arith.cmpi ne, %rem3A_39, %ne3A_41 : vector<256x832xi32>
    %lt3A = arith.constant 0 : i32
    %lt3A_43 = vector.broadcast %lt3A : i32 to vector<256x832xi32>
    %lt3A_44 = arith.cmpi slt, %rem3A_39, %lt3A_43 : vector<256x832xi32>
    %lt3A_45 = arith.constant 0 : i32
    %lt3A_46 = arith.cmpi slt, %select_n3A_37, %lt3A_45 : i32
    %ne3A_47 = vector.broadcast %lt3A_46 : i1 to vector<256x832xi1>
    %ne3A_48 = vector.broadcast %ne3A_47 : vector<256x832xi1> to vector<256x832xi1>
    %ne3A_49 = arith.xori %lt3A_44, %ne3A_48 : vector<256x832xi1>
    %and3A_50 = arith.andi %ne3A_49, %ne3A_42 : vector<256x832xi1>
    %add3A = vector.broadcast %select_n3A_37 : i32 to vector<256x832xi32>
    %add3A_51 = arith.addi %rem3A_39, %add3A : vector<256x832xi32>
    %select_n3A_52 = arith.select %and3A_50, %add3A_51, %rem3A_39 : vector<256x832xi1>, vector<256x832xi32>
    %convert_element_type3A_53 = arith.sitofp %select_n3A_52 : vector<256x832xi32> to vector<256x832xf32>
    %eq3A_54 = arith.cmpf oeq, %dot_general3A_31, %convert_element_type3A_53 : vector<256x832xf32>
    %convert_element_type3A_55 = arith.extui %eq3A_54 : vector<256x832xi1> to vector<256x832xi32>
    %convert_element_type3A_56 = arith.sitofp %convert_element_type3A_55 : vector<256x832xi32> to vector<256x832xf32>
    %convert_element_type3A_57 = arith.truncf %convert_element_type3A_56 : vector<256x832xf32> to vector<256x832xbf16>
    %get3A_58 = arith.constant 0 : index
    %get3A_59 = arith.constant 0 : index
    %get3A_60 = vector.load %arg3[%get3A_58, %get3A_59] : memref<832x3072xbf16, #tpu.memory_space<vmem>>, vector<832x3072xbf16>
    %dot_general3A_61 = arith.constant dense<0.000000e+00> : vector<256x3072xf32>
    %dot_general3A_62 = tpu.matmul %convert_element_type3A_57, %get3A_60, %dot_general3A_61 {dimension_numbers = #tpu.dot_dimension_numbers<[1], [0], [0], [1], [0, 0, 1, 1], [], []>, transpose_lhs_hint = false} : vector<256x832xbf16>, vector<832x3072xbf16>, vector<256x3072xf32> -> vector<256x3072xf32>
    %add3A_63 = arith.addf %get3A_4, %dot_general3A_62 : vector<256x3072xf32>
    %broadcast_in_dim3A = vector.shape_cast %add3A_63 : vector<256x3072xf32> to vector<256x1x3072xf32>
    %swap3A = arith.constant 0 : index
    %swap3A_64 = arith.constant 0 : index
    %swap3A_65 = arith.constant 0 : index
    %swap3A_66 = vector.load %arg4[%swap3A, %swap3A_64, %swap3A_65] : memref<256x1x3072xf32, #tpu.memory_space<vmem>>, vector<256x1x3072xf32>
    tpu.vector_store %arg4[%swap3A, %swap3A_64, %swap3A_65], %broadcast_in_dim3A {strides = array<i32>} : memref<256x1x3072xf32, #tpu.memory_space<vmem>>, vector<256x1x3072xf32>,
    return
  }
  func.func @transform_0(%arg0: i32) -> (i32, i32) {
    %c0_i32 = arith.constant 0 : i32
    %c0_i32_0 = arith.constant 0 : i32
    return %arg0, %c0_i32 : i32, i32
  }
  func.func @transform_1(%arg0: i32) -> (i32, i32) {
    %c0_i32 = arith.constant 0 : i32
    %c0_i32_0 = arith.constant 0 : i32
    return %arg0, %c0_i32 : i32, i32
  }
  func.func @transform_2(%arg0: i32) -> (i32, i32) {
    %c0_i32 = arith.constant 0 : i32
    %c0_i32_0 = arith.constant 0 : i32
    %c0_i32_1 = arith.constant 0 : i32
    return %c0_i32, %c0_i32_0 : i32, i32
  }
  func.func @transform_3(%arg0: i32) -> (i32, i32, i32) {
    %add3A = arith.constant 0 : i32
    %add3A_0 = arith.addi %arg0, %add3A : i32
    %c0_i32 = arith.constant 0 : i32
    %c0_i32_1 = arith.constant 0 : i32
    %c0_i32_2 = arith.constant 0 : i32
    return %add3A_0, %c0_i32, %c0_i32_1 : i32, i32, i32
  }
}

module attributes {stable_mosaic.version = 14 : i64} {
  func.func @_combine_body_chained(%arg0: i32, %arg1: memref<256x36xi32, #tpu.memory_space<vmem>>, %arg2: memref<256x3072xf32, #tpu.memory_space<vmem>>, %arg3: memref<832x3072xbf16, #tpu.memory_space<vmem>>, %arg4: memref<16384x1x3072xf32, #tpu.memory_space<any>>, %arg5: memref<256x1x3072xf32, #tpu.memory_space<vmem>>) attributes {dimension_semantics = [#tpu.dimension_semantics<arbitrary>], iteration_bounds = array<i64: 32>, scalar_prefetch = 0 : i64, scratch_operands = 0 : i64, tpu.core_type = #tpu.core_type<tc>, window_params = [{transform_indices = @transform_0, window_bounds = array<i64: 256, 36>}, {transform_indices = @transform_1, window_bounds = array<i64: 256, 3072>}, {pipeline_mode = #tpu.pipeline_mode<synchronous>, transform_indices = @transform_2, window_bounds = array<i64: 832, 3072>}, {}, {transform_indices = @transform_4, window_bounds = array<i64: 256, 1, 3072>}]} {
    %get3A = arith.constant 0 : index
    %get3A_0 = arith.constant 0 : index
    %get3A_1 = vector.load %arg1[%get3A, %get3A_0] : memref<256x36xi32, #tpu.memory_space<vmem>>, vector<256x36xi32>
    %convert_element_type3A = arith.sitofp %get3A_1 : vector<256x36xi32> to vector<256x36xf32>
    %get3A_2 = arith.constant 0 : index
    %get3A_3 = arith.constant 0 : index
    %get3A_4 = vector.load %arg2[%get3A_2, %get3A_3] : memref<256x3072xf32, #tpu.memory_space<vmem>>, vector<256x3072xf32>
    %iota3A = tpu.iota {dimensions = array<i32: 0>} : vector<36x832xi32>
    %iota3A_5 = tpu.iota {dimensions = array<i32: 1>} : vector<36x832xi32>
    %jit3A = arith.constant 23 : i32
    %div3A = vector.broadcast %jit3A : i32 to vector<36x832xi32>
    %div3A_6 = arith.divsi %iota3A_5, %div3A : vector<36x832xi32>
    %sign3A = arith.constant 0 : i32
    %sign3A_7 = vector.broadcast %sign3A : i32 to vector<36x832xi32>
    %sign3A_8 = arith.cmpi sgt, %iota3A_5, %sign3A_7 : vector<36x832xi32>
    %sign3A_9 = arith.extui %sign3A_8 : vector<36x832xi1> to vector<36x832xi32>
    %sign3A_10 = arith.constant 0 : i32
    %sign3A_11 = vector.broadcast %sign3A_10 : i32 to vector<36x832xi32>
    %sign3A_12 = arith.cmpi slt, %iota3A_5, %sign3A_11 : vector<36x832xi32>
    %sign3A_13 = arith.extui %sign3A_12 : vector<36x832xi1> to vector<36x832xi32>
    %sign3A_14 = arith.subi %sign3A_9, %sign3A_13 : vector<36x832xi32>
    %sign3A_15 = arith.constant 0 : i32
    %sign3A_16 = arith.cmpi sgt, %jit3A, %sign3A_15 : i32
    %sign3A_17 = arith.extui %sign3A_16 : i1 to i32
    %sign3A_18 = arith.constant 0 : i32
    %sign3A_19 = arith.cmpi slt, %jit3A, %sign3A_18 : i32
    %sign3A_20 = arith.extui %sign3A_19 : i1 to i32
    %sign3A_21 = arith.subi %sign3A_17, %sign3A_20 : i32
    %ne3A = vector.broadcast %sign3A_21 : i32 to vector<36x832xi32>
    %ne3A_22 = arith.cmpi ne, %sign3A_14, %ne3A : vector<36x832xi32>
    %rem3A = vector.broadcast %jit3A : i32 to vector<36x832xi32>
    %rem3A_23 = arith.remsi %iota3A_5, %rem3A : vector<36x832xi32>
    %ne3A_24 = arith.constant 0 : i32
    %ne3A_25 = vector.broadcast %ne3A_24 : i32 to vector<36x832xi32>
    %ne3A_26 = arith.cmpi ne, %rem3A_23, %ne3A_25 : vector<36x832xi32>
    %and3A = arith.andi %ne3A_22, %ne3A_26 : vector<36x832xi1>
    %sub3A = arith.constant 1 : i32
    %sub3A_27 = vector.broadcast %sub3A : i32 to vector<36x832xi32>
    %sub3A_28 = arith.subi %div3A_6, %sub3A_27 : vector<36x832xi32>
    %select_n3A = arith.select %and3A, %sub3A_28, %div3A_6 : vector<36x832xi1>, vector<36x832xi32>
    %eq3A = arith.cmpi eq, %iota3A, %select_n3A : vector<36x832xi32>
    %convert_element_type3A_29 = arith.extui %eq3A : vector<36x832xi1> to vector<36x832xi32>
    %convert_element_type3A_30 = arith.sitofp %convert_element_type3A_29 : vector<36x832xi32> to vector<36x832xf32>
    %dot_general3A = arith.constant dense<0.000000e+00> : vector<256x832xf32>
    %dot_general3A_31 = tpu.matmul %convert_element_type3A, %convert_element_type3A_30, %dot_general3A {dimension_numbers = #tpu.dot_dimension_numbers<[1], [0], [0], [1], [0, 0, 1, 1], [], []>, transpose_lhs_hint = false} : vector<256x36xf32>, vector<36x832xf32>, vector<256x832xf32> -> vector<256x832xf32>
    %iota3A_32 = tpu.iota {dimensions = array<i32: 1>} : vector<256x832xi32>
    %jit3A_33 = arith.constant 23 : i32
    %eq3A_34 = arith.constant 0 : i32
    %eq3A_35 = arith.cmpi eq, %jit3A_33, %eq3A_34 : i32
    %jit3A_36 = arith.constant 1 : i32
    %select_n3A_37 = arith.select %eq3A_35, %jit3A_36, %jit3A_33 : i32
    %rem3A_38 = vector.broadcast %select_n3A_37 : i32 to vector<256x832xi32>
    %rem3A_39 = arith.remsi %iota3A_32, %rem3A_38 : vector<256x832xi32>
    %ne3A_40 = arith.constant 0 : i32
    %ne3A_41 = vector.broadcast %ne3A_40 : i32 to vector<256x832xi32>
    %ne3A_42 = arith.cmpi ne, %rem3A_39, %ne3A_41 : vector<256x832xi32>
    %lt3A = arith.constant 0 : i32
    %lt3A_43 = vector.broadcast %lt3A : i32 to vector<256x832xi32>
    %lt3A_44 = arith.cmpi slt, %rem3A_39, %lt3A_43 : vector<256x832xi32>
    %lt3A_45 = arith.constant 0 : i32
    %lt3A_46 = arith.cmpi slt, %select_n3A_37, %lt3A_45 : i32
    %ne3A_47 = vector.broadcast %lt3A_46 : i1 to vector<256x832xi1>
    %ne3A_48 = vector.broadcast %ne3A_47 : vector<256x832xi1> to vector<256x832xi1>
    %ne3A_49 = arith.xori %lt3A_44, %ne3A_48 : vector<256x832xi1>
    %and3A_50 = arith.andi %ne3A_49, %ne3A_42 : vector<256x832xi1>
    %add3A = vector.broadcast %select_n3A_37 : i32 to vector<256x832xi32>
    %add3A_51 = arith.addi %rem3A_39, %add3A : vector<256x832xi32>
    %select_n3A_52 = arith.select %and3A_50, %add3A_51, %rem3A_39 : vector<256x832xi1>, vector<256x832xi32>
    %convert_element_type3A_53 = arith.sitofp %select_n3A_52 : vector<256x832xi32> to vector<256x832xf32>
    %eq3A_54 = arith.cmpf oeq, %dot_general3A_31, %convert_element_type3A_53 : vector<256x832xf32>
    %convert_element_type3A_55 = arith.extui %eq3A_54 : vector<256x832xi1> to vector<256x832xi32>
    %convert_element_type3A_56 = arith.sitofp %convert_element_type3A_55 : vector<256x832xi32> to vector<256x832xf32>
    %convert_element_type3A_57 = arith.truncf %convert_element_type3A_56 : vector<256x832xf32> to vector<256x832xbf16>
    %get3A_58 = arith.constant 0 : index
    %get3A_59 = arith.constant 0 : index
    %get3A_60 = vector.load %arg3[%get3A_58, %get3A_59] : memref<832x3072xbf16, #tpu.memory_space<vmem>>, vector<832x3072xbf16>
    %dot_general3A_61 = arith.constant dense<0.000000e+00> : vector<256x3072xf32>
    %dot_general3A_62 = tpu.matmul %convert_element_type3A_57, %get3A_60, %dot_general3A_61 {dimension_numbers = #tpu.dot_dimension_numbers<[1], [0], [0], [1], [0, 0, 1, 1], [], []>, transpose_lhs_hint = false} : vector<256x832xbf16>, vector<832x3072xbf16>, vector<256x3072xf32> -> vector<256x3072xf32>
    %add3A_63 = arith.addf %get3A_4, %dot_general3A_62 : vector<256x3072xf32>
    %broadcast_in_dim3A = vector.shape_cast %add3A_63 : vector<256x3072xf32> to vector<256x1x3072xf32>
    %swap3A = arith.constant 0 : index
    %swap3A_64 = arith.constant 0 : index
    %swap3A_65 = arith.constant 0 : index
    %swap3A_66 = vector.load %arg5[%swap3A, %swap3A_64, %swap3A_65] : memref<256x1x3072xf32, #tpu.memory_space<vmem>>, vector<256x1x3072xf32>
    tpu.vector_store %arg5[%swap3A, %swap3A_64, %swap3A_65], %broadcast_in_dim3A {strides = array<i32>} : memref<256x1x3072xf32, #tpu.memory_space<vmem>>, vector<256x1x3072xf32>,
    return
  }
  func.func @transform_0(%arg0: i32) -> (i32, i32) {
    %c0_i32 = arith.constant 0 : i32
    %c0_i32_0 = arith.constant 0 : i32
    return %arg0, %c0_i32 : i32, i32
  }
  func.func @transform_1(%arg0: i32) -> (i32, i32) {
    %c0_i32 = arith.constant 0 : i32
    %c0_i32_0 = arith.constant 0 : i32
    return %arg0, %c0_i32 : i32, i32
  }
  func.func @transform_2(%arg0: i32) -> (i32, i32) {
    %c0_i32 = arith.constant 0 : i32
    %c0_i32_0 = arith.constant 0 : i32
    %c0_i32_1 = arith.constant 0 : i32
    return %c0_i32, %c0_i32_0 : i32, i32
  }
  func.func @transform_4(%arg0: i32) -> (i32, i32, i32) {
    %add3A = arith.constant 32 : i32
    %add3A_0 = arith.addi %arg0, %add3A : i32
    %c0_i32 = arith.constant 0 : i32
    %c0_i32_1 = arith.constant 0 : i32
    %c0_i32_2 = arith.constant 0 : i32
    return %add3A_0, %c0_i32, %c0_i32_1 : i32, i32, i32
  }
}

</mosaic_0001>

<sc_bundles>
// kernel: kernel.6.cloned.1.call-start
scs
__scs_entry_jumppad:
0x0: {  	(pc) =	sbr.rel $0x88, $3  }
0x1: {  	(tag) =	ssettag $0x0;
	lr =	simm.s32 $0x1  }
0x2: {  	[smem:$0x3F9E] =	sst lr;
	_ =	strace $0xD0000000  }
0x3: {  	_ = 	snop  }
0x4: {  	_ = 	snop  }
0x5: {  	_ = 	snop  }
0x6: {  	_ = 	snop  }
0x7: {  	_ = 	snop  }
__scs_overlays_trampoline_lowered:
0x8: {  	[smem:$0x3FAD] =	sst s0  }
0x9: {  	[smem:$0x3FAE] =	sst s1  }
0xa: {  	[smem:$0x3FAF] =	sst s2  }
0xb: {  	[smem:$0x3FB0] =	sst s3  }
0xc: {  	[smem:$0x3FB1] =	sst s4  }
0xd: {  	[smem:$0x3FB2] =	sst s5  }
0xe: {  	[smem:$0x3FB3] =	sst s6  }
0xf: {  	[smem:$0x3FB4] =	sst s7  }
0x10: {  	[smem:$0x3FB5] =	sst s8  }
0x11: {  	[smem:$0x3FB6] =	sst s9;
	s0 =	simm.s32 @!p0 $0x0  }
0x12: {  	s1 =	sld [smem:$0x3F9C];
	s0 =	simm.s32 @p0 $0x1  }
0x13: {  	[smem:$0x3FB7] =	sst s0;
	s0 =	simm.s32 @!p1 $0x0  }
0x14: {  	s2 =	sld [smem:$0x3F9B];
	s0 =	simm.s32 @p1 $0x1  }
0x15: {  	[smem:$0x3FB8] =	sst s0;
	s0 =	simm.s32 @!p2 $0x0  }
0x16: {  	s3 =	sld [smem:$0x3FDB];
	s0 =	simm.s32 @p2 $0x1  }
0x17: {  	s4 =	simm.s32 $0x1BF5;
	[smem:$0x3FBA] =	sst s0  }
0x18: {  	s0 =	sld [smem:$0x3F9D];
	_ =	swait.ge [sflag:s4], $0x0  }
0x19: {  	s7 =	sld [smem:$0x3F9E]  }
0x1a: {  	s8 =	sadd.s32 $0xFFFFE003, lr  }
0x1b: {  	s9 =	sadd.s32 $0xFFFFFEF7, lr;
	s5 =	simm.s32 $0xFFFFFFFF;
	p2 =	slt.u32 s8, $0xFFFFF086  }
0x1c: {  	p1 =	slt.u32 s9, $0xF7A;
	s5 =	simm.s32 @!p2 $0x0  }
0x1d: {  	s5 =	simm.s32 @p1 $0x1;
	p0 =	seq.s32 s7, s2  }
0x1e: {  	s7 =	smul.u32 @!p0 $0xF7A, s2;
	p2 =	seq.s32 @!p0 s5, $0x0  }
0x1f: {  	s9 =	smul.u32 $0xF7A, s1;
	s8 =	simm.s32 @!p0 $0x1BF5;
	p2 =	por !p2, p0  }
0x20: {  	[sflag:s8] =	ssyncset.s32 @!p0 $0xFFFFF086;
	s6 =	sadd.s32 @!p0 s3, s7;
	s7 =	simm.s32 @!p0 $0x108  }
0x21: {  	s3 =	sadd.s32 s3, s9;
	s6 =	sadd.s32 @!p0 $0x88, s6;
	s7 =	simm.s32 @p2 $0x1082  }
0x22: {  	[simem:s7], [sflag:s8] =	dma.local @!p0 [hbm:s6], $0xF7A  }
0x23: {  	s9 =	sor.u32 $0xD0000000, s2;
	s6 =	simm.s32 $0x108;
	_ =	swait.ge @!p0 [sflag:s8], $0x0  }
0x24: {  	s3 =	sadd.s32 $0x88, s3;
	s6 =	simm.s32 @!p1 $0x1082;
	[sflag:s4] =	ssyncset.s32 $0xFFFFF086  }
0x25: {  	[simem:s6], [sflag:s4] =	dma.local [hbm:s3], $0xF7A  }
0x26: {  	[smem:$0x3F9E] =	sst s1;
	(tag) =	ssettag s2;
	_ =	strace s9  }
0x27: {  	s1 =	sld [smem:$0x3FAE]  }
0x28: {  	s2 =	sld [smem:$0x3FAF]  }
0x29: {  	s4 =	sld [smem:$0x3FB1]  }
0x2a: {  	p0 =	seq.s32 s5, $0x0;
	s5 =	sld [smem:$0x3FB2]  }
0x2b: {  	s6 =	sld [smem:$0x3FB3]  }
0x2c: {  	s7 =	sld [smem:$0x3FB4]  }
0x2d: {  	s3 =	simm.s32 $0x108;
	s8 =	sld [smem:$0x3FB5]  }
0x2e: {  	s3 =	simm.s32 @!p0 $0x1082;
	s9 =	sld [smem:$0x3FB6]  }
0x2f: {  	lr =	sadd.s32 s0, s3;
	s0 =	sld [smem:$0x3FAD]  }
0x30: {  	s3 =	sld [smem:$0x3FB0]  }
0x31: {  	[smem:$0x3FB9] =	sst s10  }
0x32: {  	s10 =	sld [smem:$0x3FB7];
	_ =	sdelay $0x3  }
0x33: {  	p0 =	seq.s32 s10, $0x1;
	s10 =	sld [smem:$0x3FB9];
	_ =	sdelay $0x3  }
0x34: {  	[smem:$0x3FB9] =	sst s10  }
0x35: {  	s10 =	sld [smem:$0x3FB8];
	_ =	sdelay $0x3  }
0x36: {  	p1 =	seq.s32 s10, $0x1;
	s10 =	sld [smem:$0x3FB9];
	_ =	sdelay $0x3  }
0x37: {  	[smem:$0x3FB9] =	sst s10  }
0x38: {  	s10 =	sld [smem:$0x3FBA]  }
0x39: {  	_ = 	snop;
	(pc) =	sbr.ind lr, $3  }
0x3a: {  	_ = 	snop  }
0x3b: {  	_ = 	snop  }
0x3c: {  	p2 =	seq.s32 s10, $0x1;
	s10 =	sld [smem:$0x3FB9]  }
0x3d: {  	_ =	shalt  }
0x3e: {  	_ =	shalt  }
0x3f: {  	_ =	shalt  }
0x40: {  	_ =	shalt  }
0x41: {  	_ =	shalt  }
0x42: {  	_ =	shalt  }
0x43: {  	_ =	shalt  }
0x44: {  	_ =	shalt  }
0x45: {  	_ =	shalt  }
0x46: {  	_ =	shalt  }
0x47: {  	_ =	shalt  }
0x48: {  	_ =	shalt  }
0x49: {  	_ =	shalt  }
0x4a: {  	_ =	shalt  }
0x4b: {  	_ =	shalt  }
0x4c: {  	_ =	shalt  }
0x4d: {  	_ =	shalt  }
0x4e: {  	_ =	shalt  }
0x4f: {  	_ =	shalt  }
0x50: {  	_ =	shalt  }
0x51: {  	_ =	shalt  }
0x52: {  	_ =	shalt  }
0x53: {  	_ =	shalt  }
0x54: {  	_ =	shalt  }
0x55: {  	_ =	shalt  }
0x56: {  	_ =	shalt  }
0x57: {  	_ =	shalt  }
0x58: {  	_ =	shalt  }
0x59: {  	_ =	shalt  }
0x5a: {  	_ =	shalt  }
0x5b: {  	_ =	shalt  }
0x5c: {  	_ =	shalt  }
0x5d: {  	_ =	shalt  }
0x5e: {  	_ =	shalt  }
0x5f: {  	_ =	shalt  }
0x60: {  	_ =	shalt  }
0x61: {  	_ =	shalt  }
0x62: {  	_ =	shalt  }
0x63: {  	_ =	shalt  }
0x64: {  	_ =	shalt  }
0x65: {  	_ =	shalt  }
0x66: {  	_ =	shalt  }
0x67: {  	_ =	shalt  }
0x68: {  	_ =	shalt  }
0x69: {  	_ =	shalt  }
0x6a: {  	_ =	shalt  }
0x6b: {  	_ =	shalt  }
0x6c: {  	_ =	shalt  }
0x6d: {  	_ =	shalt  }
0x6e: {  	_ =	shalt  }
0x6f: {  	_ =	shalt  }
0x70: {  	_ =	shalt  }
0x71: {  	_ =	shalt  }
0x72: {  	_ =	shalt  }
0x73: {  	_ =	shalt  }
0x74: {  	_ =	shalt  }
0x75: {  	_ =	shalt  }
0x76: {  	_ =	shalt  }
0x77: {  	_ =	shalt  }
0x78: {  	_ =	shalt  }
0x79: {  	_ =	shalt  }
0x7a: {  	_ =	shalt  }
0x7b: {  	_ =	shalt  }
0x7c: {  	_ =	shalt  }
0x7d: {  	_ =	shalt  }
0x7e: {  	_ =	shalt  }
0x7f: {  	_ =	shalt  }
0x80: {  	_ =	shalt  }
0x81: {  	_ =	shalt  }
0x82: {  	_ =	shalt  }
0x83: {  	_ =	shalt  }
0x84: {  	_ =	shalt  }
0x85: {  	_ =	shalt  }
0x86: {  	_ =	shalt  }
0x87: {  	_ =	shalt  }
.Lfunc_end0:
.L_simem_size_0:
called_computation_lowered:
.L_overlay_start_0:
0x88: {  	s2 =	sld [smem:$0x3FD9]  }
0x89: {  	s3 =	sld [smem:$0x3FFE];
	_ =	sdelay $0x1  }
0x8a: {  	s1 =	srdreg.scid  }
0x8b: {  	s0 =	sand.u32 $0x1, s1  }
0x8c: {  	s17 =	sshll.u32 s0, $0xA;
	s2 =	sadd.s32 s3, s2  }
0x8d: {  	s2 =	sadd.s32 s2, s17  }
0x8e: {  	[smem:$0x3FC5] =	sst s2  }
0x8f: {  	_ = 	snop  }
0x90: {  	s2 =	sld [smem:$0x3FC7]  }
0x91: {  	s18 =	sld [smem:$0x3FD0];
	(tm) =	ssettm $0x1  }
0x92: {  	s4 =	sld [smem:$0x3FFB];
	_ =	sdelay $0x3  }
0x93: {  	_ =	strace s4  }
0x94: {  	s4 =	sld [smem:$0x3FFC];
	_ =	sdelay $0x3  }
0x95: {  	_ =	strace s4  }
0x96: {  	s4 =	sld [smem:$0x3FFD];
	_ =	sdelay $0x3  }
0x97: {  	_ =	strace s4  }
0x98: {  	_ =	strace $0x8FFFFFFF  }
0x99: {  	s19 =	sld [smem:$0x3FDB];
	_ =	sdelay $0x1  }
0x9a: {  	s5 =	simm.s32 $_scs_section_size  }
0x9b: {  	s6 =	simm.s32 $_size__tile_overlayer_lowered;
	s7 =	simm.s32 $_tile_overlayer_lowered  }
0x9c: {  	s22 =	simm.s32 $0x1BFF;
	s21 =	sshll.u32 s7, $0x1;
	s4 =	sadd.s32 s5, s19  }
0x9d: {  	s8 =	simm.s32 $0x0;
	s20 =	sshll.u32 s6, $0x1;
	s6 =	sadd.s32 s21, s4  }
0x9e: {  	[timem:s8], [sflag:s22] =	dma.local [hbm:s6], s20  }
0x9f: {  	_ =	swait.ge [sflag:s22], s20  }
0xa0: {  	s5 =	ssub.s32 $0x0, s20;
	[sflag:s22] =	ssyncset.done $0x0  }
0xa1: {  	[sflag:s22] =	ssyncadd.s32 s5;
	_ =	sdelay $0x1  }
0xa2: {  	s23 =	simm.s32 $0x1B8B  }
0xa3: {  	_ =	swait.ge [sflag:s23], $0x1  }
0xa4: {  	[sflag:s23] =	ssyncset.done $0x0  }
0xa5: {  	s25 =	simm.s32 $0x1B8E;
	s24 =	sld [smem:$0x3FFE];
	[sflag:s23] =	ssyncadd.s32 $0xFFFFFFFF  }
0xa6: {  	s26 =	simm.s32 $execute0_lowered;
	[smem:$0x3FD2] =	sst s25  }
0xa7: {  	s6 =	sshll.u32 s26, $0x1;
	_ =	strace $0x80000046;
	[dreg:$0x1] =	wrdreg $0xFFFFFFFF  }
0xa8: {  	s28 =	simm.s32 $_size_execute0_lowered;
	s4 =	sadd.s32 s4, s6;
	[dreg:$0x0] =	wrdreg $0x0  }
0xa9: {  	s6 =	sshll.u32 s28, $0x1;
	[dreg:$0x2] =	wrdreg s4  }
0xaa: {  	[dreg:$0x3] =	wrdreg s6  }
0xab: {  	[dreg:$0x4] =	wrdreg $0xC0  }
0xac: {  	_ =	task [dreg:s8], $0x5FFFF  }
0xad: {  	[dreg:$0x1] =	wrdreg $0xFFFFFFFF  }
0xae: {  	[dreg:$0x0] =	wrdreg $0x60  }
0xaf: {  	[dreg:$0x2] =	wrdreg s18  }
0xb0: {  	[dreg:$0x3] =	wrdreg s2  }
0xb1: {  	[dreg:$0x4] =	wrdreg s24  }
0xb2: {  	[dreg:$0x5] =	wrdreg $0x9  }
0xb3: {  	_ =	task.clear_ibuf [dreg:s8], $0x6FFFF;
	_ =	strace $0x90000046  }
0xb4: {  	s29 =	simm.s32 $0x9;
	_ =	strace $0x80000048  }
0xb5: {  	_ =	swait.ge [sflag:s29], $0x1  }
0xb6: {  	[sflag:s29] =	ssyncadd.s32 $0xFFFFFFFF  }
0xb7: {  	_ =	strace $0x90000048  }
0xb8: {  	_ =	sfence  }
0xb9: {  	s30 =	sld [smem:$0x0];
	_ =	sdelay $0x2  }
0xba: {  	s31 =	sshll.u32 s1, $0xD;
	s1 =	sshrl.u32 s1, $0x2  }
0xbb: {  	s3 =	sand.u32 $0x4000, s31;
	s1 =	sadd.s32 s1, s30  }
0xbc: {  	s0 =	sor.u32 s3, s0;
	s1 =	sshll.u32 s1, $0x11  }
0xbd: {  	s0 =	sor.u32 s1, s0  }
0xbe: {  	s0 =	sadd.s32 $0x8F2B, s0  }
0xbf: {  	[sflag:s0] =	ssyncadd.remote.s32 $0x1  }
0xc0: {  	_ =	sfence.sel $0xFFFF  }
0xc1: {  	[dreg:$0x0] =	wrdreg $0xFFFFFFFF;
	(pc) =	sbr.abs _section_cstart, $3  }
0xc2: {  	[dreg:$0x1] =	wrdreg $0xFFFFFFFF  }
0xc3: {  	_ =	task.clear_ibuf [dreg:s8], $0x2FFFF;
	_ =	strace $0x9FFFFFFF  }
0xc4: {  	(tm) =	ssettm $0x7FFFFFFF  }
0xc5: {  	_ =	shalt  }
tec
execute0_lowered:
.L_overlay_start_1:
0x0: {  	(tag) =	ssettag $0x1  }
0x1: {  	s0 =	rddreg [dreg:$0x0]  }
0x2: {  	s1 =	rddreg [dreg:$0x1]  }
0x3: {  	s2 =	rddreg [dreg:$0x2];
	s4 =	srdreg.scid  }
0x4: {  	s3 =	simm.s32 $0x0;
	s6 =	stileid.u32;
	s19 =	simm.s32 $0x3  }
0x5: {  	s28 =	simm.s32 $0xA800;
	s29 =	simm.s32 $0xB000;
	s30 =	simm.s32 $0xB800  }
0x6: {  	s31 =	simm.s32 $0xC000;
	s20 =	simm.s32 $0x0;
	s4 =	sand.u32 $0x1, s4  }
0x7: {  	[smem:$0x7FF] =	sst s3;
	s6 =	sshll.u32 s6, $0x1;
	s8 =	sadd.s32 $0x200, s1  }
0x8: {  	s9 =	sadd.s32 $0x300, s1;
	s10 =	sadd.s32 $0x400, s1;
	s11 =	sadd.s32 $0x500, s1  }
0x9: {  	s12 =	sadd.s32 $0x600, s1;
	s13 =	sadd.s32 $0x700, s1;
	s14 =	sadd.s32 $0x800, s1  }
0xa: {  	s15 =	sadd.s32 $0x900, s1;
	s16 =	sadd.s32 $0xA00, s1;
	s17 =	sadd.s32 $0xB00, s1  }
.Ltmp0:
0xb: {  	s5 =	ssub.s32 $0x2, s4;
	_ =	strace $0x80000047;
	(pc) =	sbr.rel .LBB2_1-.Ltmp0, $4  }
0xc: {  	s6 =	sor.u32 s4, s6;
	s4 =	sadd.s32 $0xE00, s2;
	s7 =	sshrl.u32 s5, $0x1  }
0xd: {  	v2 =	vlaneseq.u32;
	s2 =	simm.s32 $0x2;
	s26 =	sshll.u32 s6, $0x8;
	s25 =	ssub.s32 s5, s7  }
0xe: {  	vm0 =	vmmov $0xffff;
	v1 =	vshrl.u32 v2, $0x3;
	s5 =	sshll.u32 s6, $0x5;
	s6 =	sadd.s32 s0, s26;
	s7 =	sadd.s32 $0x100, s1  }
0xf: {  	v0 =	vand.u32 $0x7, v2;
	v2 =	vor.u32 $0x8, v2;
	v1 =	vmul.u32 $0x8, v1;
	s26 =	simm.s32 $0xA000;
	s0 =	simm.s32 $0x1;
	s18 =	smax.u32 s25, $0x1  }
.LBB2_5:
0x10: {  	s20 =	sadd.s32 $0x1, s20  }
0x11: {  	p0 =	sne.s32 s20, s18  }
.Ltmp1:
0x12: {  	_ = 	snop;
	(pc) =	sbr.rel @!p0 .LBB2_6-.Ltmp1, $4  }
0x13: {  	_ = 	snop  }
0x14: {  	_ =	swait.ge [sflag:s2], $0xC000  }
0x15: {  	[sflag:s2] =	ssyncset.done $0x0  }
0x16: {  	[sflag:s2] =	ssyncadd.s32 $0xFFFF4000  }
.LBB2_1:
0x17: {  	[tilespmem:s3], [sflag:$0x3] =	stream.linear.gather [hbm4b:s6+s3], $0x800, $0x38;
	[tilespmem:$0x18800] =	vst v63  }
0x18: {  	_ =	swait.ge [sflag:s19], $0x800  }
0x19: {  	[sflag:s19] =	ssyncset.done $0x0  }
0x1a: {  	[sflag:s19] =	ssyncadd.s32 $0xFFFFF800  }
0x1b: {  	v3 =	vld [tilespmem:$0x0];
	_ =	sdelay $0x4  }
0x1c: {  	v4 =	vshrl.u32 v3, $0x3  }
0x1d: {  	v4 =	vmul.u32 $0xC0, v4  }
0x1e: {  	v3 =	vand.u32 $0x7, v3  }
0x1f: {  	v3 =	vor.u32 v3, v4  }
0x20: {  	v4 =	vperm.xlane v3, v0;
	_ =	sdelay $0x1  }
0x21: {  	v4 =	vadd.s32 v1, v4;
	_ =	sdelay $0x3  }
0x22: {  	s21 =	simm.s32 $0x800  }
0x23: {  	[tilespmem:s21], [sflag:$0x1] =	stream.indirect_vreg.gather [hbm4b:s1+s3], $0x80, v4, vm0, $0xb8;
	[tilespmem:$0x18800] =	vst v63  }
0x24: {  	s24 =	simm.s32 $0x1000  }
0x25: {  	[tilespmem:s24], [sflag:$0x1] =	stream.indirect_vreg.gather [hbm4b:s7+s3], $0x80, v4, vm0, $0xb8;
	[tilespmem:$0x18800] =	vst v63  }
0x26: {  	s25 =	simm.s32 $0x1800  }
0x27: {  	[tilespmem:s25], [sflag:$0x1] =	stream.indirect_vreg.gather [hbm4b:s8+s3], $0x80, v4, vm0, $0xb8;
	[tilespmem:$0x18800] =	vst v63  }
0x28: {  	s22 =	simm.s32 $0x2000  }
0x29: {  	[tilespmem:s22], [sflag:$0x1] =	stream.indirect_vreg.gather [hbm4b:s9+s3], $0x80, v4, vm0, $0xb8;
	[tilespmem:$0x18800] =	vst v63  }
0x2a: {  	s23 =	simm.s32 $0x2800  }
0x2b: {  	[tilespmem:s23], [sflag:$0x1] =	stream.indirect_vreg.gather [hbm4b:s10+s3], $0x80, v4, vm0, $0xb8;
	[tilespmem:$0x18800] =	vst v63  }
0x2c: {  	s24 =	simm.s32 $0x3000  }
0x2d: {  	[tilespmem:s24], [sflag:$0x1] =	stream.indirect_vreg.gather [hbm4b:s11+s3], $0x80, v4, vm0, $0xb8;
	[tilespmem:$0x18800] =	vst v63  }
0x2e: {  	s25 =	simm.s32 $0x3800  }
0x2f: {  	[tilespmem:s25], [sflag:$0x1] =	stream.indirect_vreg.gather [hbm4b:s12+s3], $0x80, v4, vm0, $0xb8;
	[tilespmem:$0x18800] =	vst v63  }
0x30: {  	s22 =	simm.s32 $0x4000  }
0x31: {  	[tilespmem:s22], [sflag:$0x1] =	stream.indirect_vreg.gather [hbm4b:s13+s3], $0x80, v4, vm0, $0xb8;
	[tilespmem:$0x18800] =	vst v63  }
0x32: {  	s23 =	simm.s32 $0x4800  }
0x33: {  	[tilespmem:s23], [sflag:$0x1] =	stream.indirect_vreg.gather [hbm4b:s14+s3], $0x80, v4, vm0, $0xb8;
	[tilespmem:$0x18800] =	vst v63  }
0x34: {  	v3 =	vperm.xlane v3, v2;
	s24 =	simm.s32 $0x5000  }
0x35: {  	[tilespmem:s24], [sflag:$0x1] =	stream.indirect_vreg.gather [hbm4b:s15+s3], $0x80, v4, vm0, $0xb8;
	[tilespmem:$0x18800] =	vst v63  }
0x36: {  	v3 =	vadd.s32 v1, v3;
	s25 =	simm.s32 $0x5800  }
0x37: {  	[tilespmem:s25], [sflag:$0x1] =	stream.indirect_vreg.gather [hbm4b:s16+s3], $0x80, v4, vm0, $0xb8;
	[tilespmem:$0x18800] =	vst v63  }
0x38: {  	s22 =	simm.s32 $0x6000  }
0x39: {  	[tilespmem:s22], [sflag:$0x1] =	stream.indirect_vreg.gather [hbm4b:s17+s3], $0x80, v4, vm0, $0xb8;
	[tilespmem:$0x18800] =	vst v63  }
0x3a: {  	s23 =	simm.s32 $0x6800  }
0x3b: {  	[tilespmem:s23], [sflag:$0x1] =	stream.indirect_vreg.gather [hbm4b:s1+s3], $0x80, v3, vm0, $0xb8;
	[tilespmem:$0x18800] =	vst v63  }
0x3c: {  	s24 =	simm.s32 $0x7000  }
0x3d: {  	[tilespmem:s24], [sflag:$0x1] =	stream.indirect_vreg.gather [hbm4b:s7+s3], $0x80, v3, vm0, $0xb8;
	[tilespmem:$0x18800] =	vst v63  }
0x3e: {  	s25 =	simm.s32 $0x7800  }
0x3f: {  	[tilespmem:s25], [sflag:$0x1] =	stream.indirect_vreg.gather [hbm4b:s8+s3], $0x80, v3, vm0, $0xb8;
	[tilespmem:$0x18800] =	vst v63  }
0x40: {  	s22 =	simm.s32 $0x8000  }
0x41: {  	[tilespmem:s22], [sflag:$0x1] =	stream.indirect_vreg.gather [hbm4b:s9+s3], $0x80, v3, vm0, $0xb8;
	[tilespmem:$0x18800] =	vst v63  }
0x42: {  	s23 =	simm.s32 $0x8800  }
0x43: {  	[tilespmem:s23], [sflag:$0x1] =	stream.indirect_vreg.gather [hbm4b:s10+s3], $0x80, v3, vm0, $0xb8;
	[tilespmem:$0x18800] =	vst v63  }
0x44: {  	s24 =	simm.s32 $0x9000  }
0x45: {  	[tilespmem:s24], [sflag:$0x1] =	stream.indirect_vreg.gather [hbm4b:s11+s3], $0x80, v3, vm0, $0xb8;
	[tilespmem:$0x18800] =	vst v63  }
0x46: {  	s25 =	simm.s32 $0x9800  }
0x47: {  	[tilespmem:s25], [sflag:$0x1] =	stream.indirect_vreg.gather [hbm4b:s12+s3], $0x80, v3, vm0, $0xb8;
	[tilespmem:$0x18800] =	vst v63  }
0x48: {  	_ = 	snop  }
0x49: {  	[tilespmem:s26], [sflag:$0x1] =	stream.indirect_vreg.gather [hbm4b:s13+s3], $0x80, v3, vm0, $0xb8;
	[tilespmem:$0x18800] =	vst v63  }
0x4a: {  	_ = 	snop  }
0x4b: {  	[tilespmem:s28], [sflag:$0x1] =	stream.indirect_vreg.gather [hbm4b:s14+s3], $0x80, v3, vm0, $0xb8;
	[tilespmem:$0x18800] =	vst v63  }
0x4c: {  	_ = 	snop  }
0x4d: {  	[tilespmem:s29], [sflag:$0x1] =	stream.indirect_vreg.gather [hbm4b:s15+s3], $0x80, v3, vm0, $0xb8;
	[tilespmem:$0x18800] =	vst v63  }
.Ltmp2:
0x4e: {  	_ = 	snop;
	(pc) =	sbr.rel .LBB2_2-.Ltmp2, $4  }
0x4f: {  	_ = 	snop  }
0x50: {  	[tilespmem:s30], [sflag:$0x1] =	stream.indirect_vreg.gather [hbm4b:s16+s3], $0x80, v3, vm0, $0xb8;
	[tilespmem:$0x18800] =	vst v63  }
0x51: {  	s21 =	simm.s32 $0x0  }
0x52: {  	[tilespmem:s31], [sflag:$0x1] =	stream.indirect_vreg.gather [hbm4b:s17+s3], $0x80, v3, vm0, $0xb8;
	[tilespmem:$0x18800] =	vst v63  }
.LBB2_4:
0x53: {  	s21 =	sshll.u32 s21, $0x1  }
0x54: {  	s23 =	smul.u32 $0x30000, s23;
	s21 =	sor.u32 s5, s21  }
0x55: {  	p0 =	slt.u32 s22, $0x10;
	s21 =	smul.u32 $0xC00, s21  }
.Ltmp3:
0x56: {  	_ =	swait.ge [sflag:s0], $0xC000;
	(pc) =	sbr.rel @!p0 .LBB2_5-.Ltmp3, $4  }
0x57: {  	[sflag:s0] =	ssyncset.done $0x0;
	s23 =	sshrl.u32 s23, $0x2  }
0x58: {  	[sflag:s0] =	ssyncadd.s32 $0xFFFF4000;
	s23 =	sor.u32 $0x800, s23;
	s21 =	sadd.s32 s4, s21  }
0x59: {  	[hbm4b:s21+s3] =	stream.linear.scatter [tilespmem:s23], [sflag:$0x2], $0xC000, $0x38;
	[tilespmem:$0x18800] =	vst v63  }
0x5a: {  	s21 =	smov.u32 s22  }
.LBB2_2:
0x5b: {  	p0 =	seq.s32 s21, $0x0  }
0x5c: {  	p1 =	seq.s32 @!p0 s21, $0xF  }
0x5d: {  	p1 =	por p0, !p1  }
.Ltmp4:
0x5e: {  	_ = 	snop;
	(pc) =	sbr.rel @!p1 .LBB2_4-.Ltmp4, $4  }
0x5f: {  	s22 =	simm.s32 @!p0 $0x2  }
0x60: {  	_ =	swait.ge @!p0 [sflag:s22], $0xC000  }
0x61: {  	[sflag:s22] =	ssyncset.done @!p0 $0x0  }
0x62: {  	s23 =	sand.u32 $0x1, s21;
	[sflag:s22] =	ssyncadd.s32 @!p0 $0xFFFF4000;
	s22 =	simm.s32 @!p0 $0x10  }
0x63: {  	s22 =	sadd.s32 @!p0 $0x1, s21  }
0x64: {  	s22 =	simm.s32 @p0 $0x1  }
0x65: {  	s24 =	sshll.u32 s22, $0x7  }
0x66: {  	s24 =	sand.u32 $0x3FFFFF80, s24  }
0x67: {  	v3 =	vld [tilespmem:s24+$0x0];
	_ =	sdelay $0x4  }
0x68: {  	v4 =	vshrl.u32 v3, $0x3  }
0x69: {  	v4 =	vmul.u32 $0xC0, v4  }
0x6a: {  	v3 =	vand.u32 $0x7, v3  }
0x6b: {  	v3 =	vor.u32 v3, v4  }
0x6c: {  	v4 =	vperm.xlane v3, v0;
	_ =	sdelay $0x1  }
0x6d: {  	s25 =	sxor.u32 $0x1, s23;
	v4 =	vadd.s32 v1, v4  }
0x6e: {  	s24 =	smul.u32 $0x30000, s25;
	_ =	sdelay $0x1  }
0x6f: {  	s24 =	sshrl.u32 s24, $0x2  }
0x70: {  	s25 =	sor.u32 $0x800, s24  }
0x71: {  	[tilespmem:s25], [sflag:$0x1] =	stream.indirect_vreg.gather [hbm4b:s1+s3], $0x80, v4, vm0, $0xb8;
	[tilespmem:$0x18800] =	vst v63  }
0x72: {  	s25 =	sor.u32 $0x1000, s24  }
0x73: {  	[tilespmem:s25], [sflag:$0x1] =	stream.indirect_vreg.gather [hbm4b:s7+s3], $0x80, v4, vm0, $0xb8;
	[tilespmem:$0x18800] =	vst v63  }
0x74: {  	s25 =	sor.u32 $0x1800, s24  }
0x75: {  	[tilespmem:s25], [sflag:$0x1] =	stream.indirect_vreg.gather [hbm4b:s8+s3], $0x80, v4, vm0, $0xb8;
	[tilespmem:$0x18800] =	vst v63  }
0x76: {  	s25 =	sor.u32 $0x2000, s24  }
0x77: {  	[tilespmem:s25], [sflag:$0x1] =	stream.indirect_vreg.gather [hbm4b:s9+s3], $0x80, v4, vm0, $0xb8;
	[tilespmem:$0x18800] =	vst v63  }
0x78: {  	s25 =	sor.u32 $0x2800, s24  }
0x79: {  	[tilespmem:s25], [sflag:$0x1] =	stream.indirect_vreg.gather [hbm4b:s10+s3], $0x80, v4, vm0, $0xb8;
	[tilespmem:$0x18800] =	vst v63  }
0x7a: {  	s25 =	sor.u32 $0x3000, s24  }
0x7b: {  	[tilespmem:s25], [sflag:$0x1] =	stream.indirect_vreg.gather [hbm4b:s11+s3], $0x80, v4, vm0, $0xb8;
	[tilespmem:$0x18800] =	vst v63  }
0x7c: {  	s25 =	sor.u32 $0x3800, s24  }
0x7d: {  	[tilespmem:s25], [sflag:$0x1] =	stream.indirect_vreg.gather [hbm4b:s12+s3], $0x80, v4, vm0, $0xb8;
	[tilespmem:$0x18800] =	vst v63  }
0x7e: {  	s25 =	sadd.s32 $0x4000, s24  }
0x7f: {  	[tilespmem:s25], [sflag:$0x1] =	stream.indirect_vreg.gather [hbm4b:s13+s3], $0x80, v4, vm0, $0xb8;
	[tilespmem:$0x18800] =	vst v63  }
0x80: {  	s25 =	sadd.s32 $0x4800, s24  }
0x81: {  	[tilespmem:s25], [sflag:$0x1] =	stream.indirect_vreg.gather [hbm4b:s14+s3], $0x80, v4, vm0, $0xb8;
	[tilespmem:$0x18800] =	vst v63  }
0x82: {  	v3 =	vperm.xlane v3, v2;
	s25 =	sadd.s32 $0x5000, s24  }
0x83: {  	[tilespmem:s25], [sflag:$0x1] =	stream.indirect_vreg.gather [hbm4b:s15+s3], $0x80, v4, vm0, $0xb8;
	[tilespmem:$0x18800] =	vst v63  }
0x84: {  	v3 =	vadd.s32 v1, v3;
	s25 =	sadd.s32 $0x5800, s24  }
0x85: {  	[tilespmem:s25], [sflag:$0x1] =	stream.indirect_vreg.gather [hbm4b:s16+s3], $0x80, v4, vm0, $0xb8;
	[tilespmem:$0x18800] =	vst v63  }
0x86: {  	s25 =	sadd.s32 $0x6000, s24  }
0x87: {  	[tilespmem:s25], [sflag:$0x1] =	stream.indirect_vreg.gather [hbm4b:s17+s3], $0x80, v4, vm0, $0xb8;
	[tilespmem:$0x18800] =	vst v63  }
0x88: {  	s25 =	sadd.s32 $0x6800, s24  }
0x89: {  	[tilespmem:s25], [sflag:$0x1] =	stream.indirect_vreg.gather [hbm4b:s1+s3], $0x80, v3, vm0, $0xb8;
	[tilespmem:$0x18800] =	vst v63  }
0x8a: {  	s25 =	sadd.s32 $0x7000, s24  }
0x8b: {  	[tilespmem:s25], [sflag:$0x1] =	stream.indirect_vreg.gather [hbm4b:s7+s3], $0x80, v3, vm0, $0xb8;
	[tilespmem:$0x18800] =	vst v63  }
0x8c: {  	s25 =	sadd.s32 $0x7800, s24  }
0x8d: {  	[tilespmem:s25], [sflag:$0x1] =	stream.indirect_vreg.gather [hbm4b:s8+s3], $0x80, v3, vm0, $0xb8;
	[tilespmem:$0x18800] =	vst v63  }
0x8e: {  	s25 =	sadd.s32 $0x8000, s24  }
0x8f: {  	[tilespmem:s25], [sflag:$0x1] =	stream.indirect_vreg.gather [hbm4b:s9+s3], $0x80, v3, vm0, $0xb8;
	[tilespmem:$0x18800] =	vst v63  }
0x90: {  	s25 =	sadd.s32 $0x8800, s24  }
0x91: {  	[tilespmem:s25], [sflag:$0x1] =	stream.indirect_vreg.gather [hbm4b:s10+s3], $0x80, v3, vm0, $0xb8;
	[tilespmem:$0x18800] =	vst v63  }
0x92: {  	s25 =	sadd.s32 $0x9000, s24  }
0x93: {  	[tilespmem:s25], [sflag:$0x1] =	stream.indirect_vreg.gather [hbm4b:s11+s3], $0x80, v3, vm0, $0xb8;
	[tilespmem:$0x18800] =	vst v63  }
0x94: {  	s25 =	sadd.s32 $0x9800, s24  }
0x95: {  	[tilespmem:s25], [sflag:$0x1] =	stream.indirect_vreg.gather [hbm4b:s12+s3], $0x80, v3, vm0, $0xb8;
	[tilespmem:$0x18800] =	vst v63  }
0x96: {  	s25 =	sadd.s32 $0xA000, s24  }
0x97: {  	[tilespmem:s25], [sflag:$0x1] =	stream.indirect_vreg.gather [hbm4b:s13+s3], $0x80, v3, vm0, $0xb8;
	[tilespmem:$0x18800] =	vst v63  }
0x98: {  	s25 =	sadd.s32 $0xA800, s24  }
0x99: {  	[tilespmem:s25], [sflag:$0x1] =	stream.indirect_vreg.gather [hbm4b:s14+s3], $0x80, v3, vm0, $0xb8;
	[tilespmem:$0x18800] =	vst v63  }
0x9a: {  	s25 =	sadd.s32 $0xB000, s24  }
0x9b: {  	[tilespmem:s25], [sflag:$0x1] =	stream.indirect_vreg.gather [hbm4b:s15+s3], $0x80, v3, vm0, $0xb8;
	[tilespmem:$0x18800] =	vst v63  }
.Ltmp5:
0x9c: {  	_ = 	snop;
	(pc) =	sbr.rel .LBB2_4-.Ltmp5, $4  }
0x9d: {  	s25 =	sadd.s32 $0xB800, s24  }
0x9e: {  	[tilespmem:s25], [sflag:$0x1] =	stream.indirect_vreg.gather [hbm4b:s16+s3], $0x80, v3, vm0, $0xb8;
	[tilespmem:$0x18800] =	vst v63  }
0x9f: {  	s24 =	sadd.s32 $0xC000, s24  }
0xa0: {  	[tilespmem:s24], [sflag:$0x1] =	stream.indirect_vreg.gather [hbm4b:s17+s3], $0x80, v3, vm0, $0xb8;
	[tilespmem:$0x18800] =	vst v63  }
.LBB2_6:
0xa1: {  	_ =	sfence.sel $0x180000  }
0xa2: {  	[bflag:$0x0] =	sbarrier.arrive $0xFFFF  }
0xa3: {  	_ =	strace $0x90000047  }
0xa4: {  	s0 =	stileid.u32;
	[bflag:$0x2] =	sbarrier.arrive $0xFFFF  }
0xa5: {  	p0 =	sne.s32 s0, $0x0;
	s0 =	rddreg [dreg:$0x3]  }
0xa6: {  	s0 =	sadd.s32 @!p0 $0x100000, s0  }
0xa7: {  	[sflag:s0] =	ssyncadd.tile.s32 @!p0 $0x1;
	_ =	shalt  }
.Lfunc_end2:
_tile_overlayer_lowered:
.L_overlay_start_2:
0xa8: {  	(tag) =	ssettag $0x2  }
0xa9: {  	s0 =	rddreg [dreg:$0x0];
	s2 =	stileid.u32  }
0xaa: {  	s1 =	rddreg [dreg:$0x1];
	p0 =	sne.s32 s2, $0x0  }
0xab: {  	s3 =	rddreg [dreg:$0x2];
	[bflag:$0x3] =	sbarrier.arrive $0xFFFF;
	s2 =	simm.s32 @!p0 $0x1C03  }
0xac: {  	[timem:s3], [sflag:s2] =	dma.local @!p0 [hbm:s0], s1  }
0xad: {  	s0 =	simm.s32 @!p0 $0x3  }
0xae: {  	_ =	swait.ge @!p0 [sflag:s0], s1  }
0xaf: {  	s1 =	ssub.s32 @!p0 $0x0, s1;
	[sflag:s0] =	ssyncset.done @!p0 $0x0  }
0xb0: {  	[sflag:s0] =	ssyncadd.s32 @!p0 s1  }
0xb1: {  	[bflag:$0x3] =	sbarrier.arrive $0xFFFF  }
0xb2: {  	_ =	shalt  }

// kernel: kernel.9.cloned.1.call-start
scs
__scs_entry_jumppad:
0x0: {  	(pc) =	sbr.rel $0x88, $3  }
0x1: {  	(tag) =	ssettag $0x0;
	lr =	simm.s32 $0x1  }
0x2: {  	[smem:$0x3F9E] =	sst lr;
	_ =	strace $0xD0000000  }
0x3: {  	_ = 	snop  }
0x4: {  	_ = 	snop  }
0x5: {  	_ = 	snop  }
0x6: {  	_ = 	snop  }
0x7: {  	_ = 	snop  }
__scs_overlays_trampoline_lowered:
0x8: {  	[smem:$0x3FAD] =	sst s0  }
0x9: {  	[smem:$0x3FAE] =	sst s1  }
0xa: {  	[smem:$0x3FAF] =	sst s2  }
0xb: {  	[smem:$0x3FB0] =	sst s3  }
0xc: {  	[smem:$0x3FB1] =	sst s4  }
0xd: {  	[smem:$0x3FB2] =	sst s5  }
0xe: {  	[smem:$0x3FB3] =	sst s6  }
0xf: {  	[smem:$0x3FB4] =	sst s7  }
0x10: {  	[smem:$0x3FB5] =	sst s8  }
0x11: {  	[smem:$0x3FB6] =	sst s9;
	s0 =	simm.s32 @!p0 $0x0  }
0x12: {  	s1 =	sld [smem:$0x3F9C];
	s0 =	simm.s32 @p0 $0x1  }
0x13: {  	[smem:$0x3FB7] =	sst s0;
	s0 =	simm.s32 @!p1 $0x0  }
0x14: {  	s2 =	sld [smem:$0x3F9B];
	s0 =	simm.s32 @p1 $0x1  }
0x15: {  	[smem:$0x3FB8] =	sst s0;
	s0 =	simm.s32 @!p2 $0x0  }
0x16: {  	s3 =	sld [smem:$0x3FDB];
	s0 =	simm.s32 @p2 $0x1  }
0x17: {  	s4 =	simm.s32 $0x1BF5;
	[smem:$0x3FBA] =	sst s0  }
0x18: {  	s0 =	sld [smem:$0x3F9D];
	_ =	swait.ge [sflag:s4], $0x0  }
0x19: {  	s7 =	sld [smem:$0x3F9E]  }
0x1a: {  	s8 =	sadd.s32 $0xFFFFE003, lr  }
0x1b: {  	s9 =	sadd.s32 $0xFFFFFEF7, lr;
	s5 =	simm.s32 $0xFFFFFFFF;
	p2 =	slt.u32 s8, $0xFFFFF086  }
0x1c: {  	p1 =	slt.u32 s9, $0xF7A;
	s5 =	simm.s32 @!p2 $0x0  }
0x1d: {  	s5 =	simm.s32 @p1 $0x1;
	p0 =	seq.s32 s7, s2  }
0x1e: {  	s7 =	smul.u32 @!p0 $0xF7A, s2;
	p2 =	seq.s32 @!p0 s5, $0x0  }
0x1f: {  	s9 =	smul.u32 $0xF7A, s1;
	s8 =	simm.s32 @!p0 $0x1BF5;
	p2 =	por !p2, p0  }
0x20: {  	[sflag:s8] =	ssyncset.s32 @!p0 $0xFFFFF086;
	s6 =	sadd.s32 @!p0 s3, s7;
	s7 =	simm.s32 @!p0 $0x108  }
0x21: {  	s3 =	sadd.s32 s3, s9;
	s6 =	sadd.s32 @!p0 $0x88, s6;
	s7 =	simm.s32 @p2 $0x1082  }
0x22: {  	[simem:s7], [sflag:s8] =	dma.local @!p0 [hbm:s6], $0xF7A  }
0x23: {  	s9 =	sor.u32 $0xD0000000, s2;
	s6 =	simm.s32 $0x108;
	_ =	swait.ge @!p0 [sflag:s8], $0x0  }
0x24: {  	s3 =	sadd.s32 $0x88, s3;
	s6 =	simm.s32 @!p1 $0x1082;
	[sflag:s4] =	ssyncset.s32 $0xFFFFF086  }
0x25: {  	[simem:s6], [sflag:s4] =	dma.local [hbm:s3], $0xF7A  }
0x26: {  	[smem:$0x3F9E] =	sst s1;
	(tag) =	ssettag s2;
	_ =	strace s9  }
0x27: {  	s1 =	sld [smem:$0x3FAE]  }
0x28: {  	s2 =	sld [smem:$0x3FAF]  }
0x29: {  	s4 =	sld [smem:$0x3FB1]  }
0x2a: {  	p0 =	seq.s32 s5, $0x0;
	s5 =	sld [smem:$0x3FB2]  }
0x2b: {  	s6 =	sld [smem:$0x3FB3]  }
0x2c: {  	s7 =	sld [smem:$0x3FB4]  }
0x2d: {  	s3 =	simm.s32 $0x108;
	s8 =	sld [smem:$0x3FB5]  }
0x2e: {  	s3 =	simm.s32 @!p0 $0x1082;
	s9 =	sld [smem:$0x3FB6]  }
0x2f: {  	lr =	sadd.s32 s0, s3;
	s0 =	sld [smem:$0x3FAD]  }
0x30: {  	s3 =	sld [smem:$0x3FB0]  }
0x31: {  	[smem:$0x3FB9] =	sst s10  }
0x32: {  	s10 =	sld [smem:$0x3FB7];
	_ =	sdelay $0x3  }
0x33: {  	p0 =	seq.s32 s10, $0x1;
	s10 =	sld [smem:$0x3FB9];
	_ =	sdelay $0x3  }
0x34: {  	[smem:$0x3FB9] =	sst s10  }
0x35: {  	s10 =	sld [smem:$0x3FB8];
	_ =	sdelay $0x3  }
0x36: {  	p1 =	seq.s32 s10, $0x1;
	s10 =	sld [smem:$0x3FB9];
	_ =	sdelay $0x3  }
0x37: {  	[smem:$0x3FB9] =	sst s10  }
0x38: {  	s10 =	sld [smem:$0x3FBA]  }
0x39: {  	_ = 	snop;
	(pc) =	sbr.ind lr, $3  }
0x3a: {  	_ = 	snop  }
0x3b: {  	_ = 	snop  }
0x3c: {  	p2 =	seq.s32 s10, $0x1;
	s10 =	sld [smem:$0x3FB9]  }
0x3d: {  	_ =	shalt  }
0x3e: {  	_ =	shalt  }
0x3f: {  	_ =	shalt  }
0x40: {  	_ =	shalt  }
0x41: {  	_ =	shalt  }
0x42: {  	_ =	shalt  }
0x43: {  	_ =	shalt  }
0x44: {  	_ =	shalt  }
0x45: {  	_ =	shalt  }
0x46: {  	_ =	shalt  }
0x47: {  	_ =	shalt  }
0x48: {  	_ =	shalt  }
0x49: {  	_ =	shalt  }
0x4a: {  	_ =	shalt  }
0x4b: {  	_ =	shalt  }
0x4c: {  	_ =	shalt  }
0x4d: {  	_ =	shalt  }
0x4e: {  	_ =	shalt  }
0x4f: {  	_ =	shalt  }
0x50: {  	_ =	shalt  }
0x51: {  	_ =	shalt  }
0x52: {  	_ =	shalt  }
0x53: {  	_ =	shalt  }
0x54: {  	_ =	shalt  }
0x55: {  	_ =	shalt  }
0x56: {  	_ =	shalt  }
0x57: {  	_ =	shalt  }
0x58: {  	_ =	shalt  }
0x59: {  	_ =	shalt  }
0x5a: {  	_ =	shalt  }
0x5b: {  	_ =	shalt  }
0x5c: {  	_ =	shalt  }
0x5d: {  	_ =	shalt  }
0x5e: {  	_ =	shalt  }
0x5f: {  	_ =	shalt  }
0x60: {  	_ =	shalt  }
0x61: {  	_ =	shalt  }
0x62: {  	_ =	shalt  }
0x63: {  	_ =	shalt  }
0x64: {  	_ =	shalt  }
0x65: {  	_ =	shalt  }
0x66: {  	_ =	shalt  }
0x67: {  	_ =	shalt  }
0x68: {  	_ =	shalt  }
0x69: {  	_ =	shalt  }
0x6a: {  	_ =	shalt  }
0x6b: {  	_ =	shalt  }
0x6c: {  	_ =	shalt  }
0x6d: {  	_ =	shalt  }
0x6e: {  	_ =	shalt  }
0x6f: {  	_ =	shalt  }
0x70: {  	_ =	shalt  }
0x71: {  	_ =	shalt  }
0x72: {  	_ =	shalt  }
0x73: {  	_ =	shalt  }
0x74: {  	_ =	shalt  }
0x75: {  	_ =	shalt  }
0x76: {  	_ =	shalt  }
0x77: {  	_ =	shalt  }
0x78: {  	_ =	shalt  }
0x79: {  	_ =	shalt  }
0x7a: {  	_ =	shalt  }
0x7b: {  	_ =	shalt  }
0x7c: {  	_ =	shalt  }
0x7d: {  	_ =	shalt  }
0x7e: {  	_ =	shalt  }
0x7f: {  	_ =	shalt  }
0x80: {  	_ =	shalt  }
0x81: {  	_ =	shalt  }
0x82: {  	_ =	shalt  }
0x83: {  	_ =	shalt  }
0x84: {  	_ =	shalt  }
0x85: {  	_ =	shalt  }
0x86: {  	_ =	shalt  }
0x87: {  	_ =	shalt  }
.Lfunc_end0:
.L_simem_size_0:
called_computation.1_lowered:
.L_overlay_start_0:
0x88: {  	s2 =	sld [smem:$0x3FD9]  }
0x89: {  	s3 =	sld [smem:$0x3FFE];
	_ =	sdelay $0x1  }
0x8a: {  	s1 =	srdreg.scid  }
0x8b: {  	s0 =	sand.u32 $0x1, s1  }
0x8c: {  	s17 =	sshll.u32 s0, $0xA;
	s2 =	sadd.s32 s3, s2  }
0x8d: {  	s2 =	sadd.s32 s2, s17  }
0x8e: {  	[smem:$0x3FC5] =	sst s2  }
0x8f: {  	_ = 	snop  }
0x90: {  	s18 =	sld [smem:$0x3FC7];
	(tm) =	ssettm $0x1  }
0x91: {  	s19 =	sld [smem:$0x3FFB];
	_ =	sdelay $0x3  }
0x92: {  	_ =	strace s19  }
0x93: {  	s2 =	sld [smem:$0x3FFC];
	_ =	sdelay $0x3  }
0x94: {  	_ =	strace s2  }
0x95: {  	s2 =	sld [smem:$0x3FFD];
	_ =	sdelay $0x3  }
0x96: {  	_ =	strace s2  }
0x97: {  	_ =	strace $0x8FFFFFFF  }
0x98: {  	s20 =	sld [smem:$0x3FDB];
	_ =	sdelay $0x1  }
0x99: {  	s4 =	simm.s32 $_scs_section_size  }
0x9a: {  	s5 =	simm.s32 $_size__tile_overlayer_lowered;
	s6 =	simm.s32 $_tile_overlayer_lowered  }
0x9b: {  	s7 =	simm.s32 $0x1BFF;
	s21 =	sshll.u32 s6, $0x1;
	s4 =	sadd.s32 s4, s20  }
0x9c: {  	s22 =	simm.s32 $0x0;
	s5 =	sshll.u32 s5, $0x1;
	s6 =	sadd.s32 s21, s4  }
0x9d: {  	[timem:s22], [sflag:s7] =	dma.local [hbm:s6], s5  }
0x9e: {  	_ =	swait.ge [sflag:s7], s5  }
0x9f: {  	s5 =	ssub.s32 $0x0, s5;
	[sflag:s7] =	ssyncset.done $0x0  }
0xa0: {  	[sflag:s7] =	ssyncadd.s32 s5;
	_ =	sdelay $0x1  }
0xa1: {  	s23 =	simm.s32 $0x1B8B  }
0xa2: {  	_ =	swait.ge [sflag:s23], $0x1  }
0xa3: {  	[sflag:s23] =	ssyncset.done $0x0  }
0xa4: {  	[sflag:s23] =	ssyncadd.s32 $0xFFFFFFFF  }
0xa5: {  	s5 =	sld [smem:$0x0]  }
0xa6: {  	s6 =	sand.u32 $0xFFFFFFFE, s1  }
0xa7: {  	p0 =	sne.s32 s1, s6  }
0xa8: {  	s6 =	sshll.u32 @p0 s6, $0xE  }
0xa9: {  	s6 =	sadd.s32 @p0 $0x11B8D, s6;
	s7 =	sshll.u32 @p0 s5, $0x11  }
0xaa: {  	s6 =	sor.u32 @p0 s7, s6  }
0xab: {  	[sflag:s6] =	ssyncadd.remote.s32 @p0 $0x1;
	_ =	sdelay $0x1  }
0xac: {  	s6 =	simm.s32 @p0 $0x1B8D  }
0xad: {  	_ =	swait.eq @p0 [sflag:s6], $0x1  }
0xae: {  	[sflag:s6] =	ssyncadd.s32 @p0 $0xFFFFFFFF  }
0xaf: {  	s7 =	sshll.u32 @!p0 s1, $0xE  }
0xb0: {  	s7 =	sor.u32 @!p0 $0x4000, s7;
	s6 =	simm.s32 @!p0 $0x1B8D  }
0xb1: {  	s5 =	sshll.u32 @!p0 s5, $0x11;
	s7 =	sadd.s32 @!p0 $0x11B8D, s7;
	_ =	swait.eq @!p0 [sflag:s6], $0x1  }
0xb2: {  	s5 =	sor.u32 @!p0 s5, s7;
	[sflag:s6] =	ssyncadd.s32 @!p0 $0xFFFFFFFF  }
0xb3: {  	s25 =	simm.s32 $0x1B8E;
	s24 =	sld [smem:$0x3FFE];
	[sflag:s5] =	ssyncadd.remote.s32 @!p0 $0x1  }
0xb4: {  	s26 =	simm.s32 $execute0_lowered;
	[smem:$0x3FD2] =	sst s25  }
0xb5: {  	s6 =	sshll.u32 s26, $0x1;
	_ =	strace $0x80000049;
	[dreg:$0x1] =	wrdreg $0xFFFFFFFF  }
0xb6: {  	s28 =	simm.s32 $_size_execute0_lowered;
	s4 =	sadd.s32 s4, s6;
	[dreg:$0x0] =	wrdreg $0x0  }
0xb7: {  	s6 =	sshll.u32 s28, $0x1;
	[dreg:$0x2] =	wrdreg s4  }
0xb8: {  	[dreg:$0x3] =	wrdreg s6  }
0xb9: {  	[dreg:$0x4] =	wrdreg $0xC0  }
0xba: {  	_ =	task [dreg:s22], $0x5FFFF  }
0xbb: {  	[dreg:$0x1] =	wrdreg $0xFFFFFFFF  }
0xbc: {  	[dreg:$0x0] =	wrdreg $0x60  }
0xbd: {  	[dreg:$0x2] =	wrdreg s24  }
0xbe: {  	[dreg:$0x3] =	wrdreg s18  }
0xbf: {  	[dreg:$0x4] =	wrdreg $0xA  }
0xc0: {  	_ =	task.clear_ibuf [dreg:s22], $0x5FFFF;
	_ =	strace $0x90000049  }
0xc1: {  	s29 =	simm.s32 $0xA;
	_ =	strace $0x8000004B  }
0xc2: {  	_ =	swait.ge [sflag:s29], $0x1  }
0xc3: {  	[sflag:s29] =	ssyncadd.s32 $0xFFFFFFFF  }
0xc4: {  	_ =	strace $0x9000004B  }
0xc5: {  	_ =	sfence  }
0xc6: {  	s30 =	sld [smem:$0x0];
	_ =	sdelay $0x2  }
0xc7: {  	s31 =	sshll.u32 s1, $0xD;
	s1 =	sshrl.u32 s1, $0x2  }
0xc8: {  	s4 =	sand.u32 $0x4000, s31;
	s1 =	sadd.s32 s1, s30  }
0xc9: {  	s0 =	sor.u32 s4, s0;
	s1 =	sshll.u32 s1, $0x11  }
0xca: {  	s0 =	sor.u32 s1, s0  }
0xcb: {  	s0 =	sadd.s32 $0x8F2B, s0  }
0xcc: {  	[sflag:s0] =	ssyncadd.remote.s32 $0x1  }
0xcd: {  	_ =	sfence.sel $0xFFFF  }
0xce: {  	[dreg:$0x0] =	wrdreg $0xFFFFFFFF;
	(pc) =	sbr.abs _section_cstart, $3  }
0xcf: {  	[dreg:$0x1] =	wrdreg $0xFFFFFFFF  }
0xd0: {  	_ =	task.clear_ibuf [dreg:s22], $0x2FFFF;
	_ =	strace $0x9FFFFFFF  }
0xd1: {  	(tm) =	ssettm $0x7FFFFFFF  }
tec
execute0_lowered:
.L_overlay_start_1:
0x0: {  	(tag) =	ssettag $0x1  }
0x1: {  	s0 =	rddreg [dreg:$0x0]  }
0x2: {  	s2 =	rddreg [dreg:$0x1]  }
0x3: {  	s1 =	srdreg.scid;
	s4 =	stileid.u32  }
0x4: {  	s3 =	simm.s32 $0x0;
	s19 =	simm.s32 $0x3;
	s28 =	simm.s32 $0xA800  }
0x5: {  	s29 =	simm.s32 $0xB000;
	s30 =	simm.s32 $0xB800;
	s31 =	simm.s32 $0xC000  }
0x6: {  	s20 =	simm.s32 $0x0;
	s1 =	sand.u32 $0x1, s1;
	s4 =	sshll.u32 s4, $0x1  }
0x7: {  	[smem:$0x7FF] =	sst s3;
	s8 =	sadd.s32 $0x200, s2;
	s9 =	sadd.s32 $0x300, s2  }
0x8: {  	s10 =	sadd.s32 $0x400, s2;
	s11 =	sadd.s32 $0x500, s2;
	s12 =	sadd.s32 $0x600, s2  }
0x9: {  	s13 =	sadd.s32 $0x700, s2;
	s14 =	sadd.s32 $0x800, s2;
	s15 =	sadd.s32 $0x900, s2  }
0xa: {  	s16 =	sadd.s32 $0xA00, s2;
	s17 =	sadd.s32 $0xB00, s2;
	s5 =	sor.u32 s1, s4  }
.Ltmp0:
0xb: {  	s1 =	ssub.s32 $0x2, s1;
	_ =	strace $0x8000004A;
	(pc) =	sbr.rel .LBB2_1-.Ltmp0, $4  }
0xc: {  	s4 =	sshll.u32 s5, $0x8;
	s6 =	sshrl.u32 s1, $0x1;
	s5 =	sshll.u32 s5, $0x5  }
0xd: {  	v2 =	vlaneseq.u32;
	s7 =	sadd.s32 s4, s0;
	s4 =	sadd.s32 $0x302E00, s0;
	s26 =	ssub.s32 s1, s6  }
0xe: {  	vm0 =	vmmov $0xffff;
	v1 =	vshrl.u32 v2, $0x3;
	s0 =	simm.s32 $0x1;
	s1 =	simm.s32 $0x2;
	s6 =	sadd.s32 $0x300E00, s7  }
0xf: {  	v0 =	vand.u32 $0x7, v2;
	v2 =	vor.u32 $0x8, v2;
	v1 =	vmul.u32 $0x8, v1;
	s7 =	sadd.s32 $0x100, s2;
	s18 =	smax.u32 s26, $0x1;
	s26 =	simm.s32 $0xA000  }
.LBB2_5:
0x10: {  	s20 =	sadd.s32 $0x1, s20  }
0x11: {  	p0 =	sne.s32 s20, s18  }
.Ltmp1:
0x12: {  	_ = 	snop;
	(pc) =	sbr.rel @!p0 .LBB2_6-.Ltmp1, $4  }
0x13: {  	_ = 	snop  }
0x14: {  	_ =	swait.ge [sflag:s1], $0xC000  }
0x15: {  	[sflag:s1] =	ssyncset.done $0x0  }
0x16: {  	[sflag:s1] =	ssyncadd.s32 $0xFFFF4000  }
.LBB2_1:
0x17: {  	[tilespmem:s3], [sflag:$0x3] =	stream.linear.gather [hbm4b:s6+s3], $0x800, $0x38;
	[tilespmem:$0x18800] =	vst v63  }
0x18: {  	_ =	swait.ge [sflag:s19], $0x800  }
0x19: {  	[sflag:s19] =	ssyncset.done $0x0  }
0x1a: {  	[sflag:s19] =	ssyncadd.s32 $0xFFFFF800  }
0x1b: {  	v3 =	vld [tilespmem:$0x0];
	_ =	sdelay $0x4  }
0x1c: {  	v4 =	vshrl.u32 v3, $0x3  }
0x1d: {  	v4 =	vmul.u32 $0xC0, v4  }
0x1e: {  	v3 =	vand.u32 $0x7, v3  }
0x1f: {  	v3 =	vor.u32 v3, v4  }
0x20: {  	v4 =	vperm.xlane v3, v0;
	_ =	sdelay $0x1  }
0x21: {  	v4 =	vadd.s32 v1, v4;
	_ =	sdelay $0x3  }
0x22: {  	s21 =	simm.s32 $0x800  }
0x23: {  	[tilespmem:s21], [sflag:$0x1] =	stream.indirect_vreg.gather [hbm4b:s2+s3], $0x80, v4, vm0, $0xb8;
	[tilespmem:$0x18800] =	vst v63  }
0x24: {  	s24 =	simm.s32 $0x1000  }
0x25: {  	[tilespmem:s24], [sflag:$0x1] =	stream.indirect_vreg.gather [hbm4b:s7+s3], $0x80, v4, vm0, $0xb8;
	[tilespmem:$0x18800] =	vst v63  }
0x26: {  	s25 =	simm.s32 $0x1800  }
0x27: {  	[tilespmem:s25], [sflag:$0x1] =	stream.indirect_vreg.gather [hbm4b:s8+s3], $0x80, v4, vm0, $0xb8;
	[tilespmem:$0x18800] =	vst v63  }
0x28: {  	s22 =	simm.s32 $0x2000  }
0x29: {  	[tilespmem:s22], [sflag:$0x1] =	stream.indirect_vreg.gather [hbm4b:s9+s3], $0x80, v4, vm0, $0xb8;
	[tilespmem:$0x18800] =	vst v63  }
0x2a: {  	s23 =	simm.s32 $0x2800  }
0x2b: {  	[tilespmem:s23], [sflag:$0x1] =	stream.indirect_vreg.gather [hbm4b:s10+s3], $0x80, v4, vm0, $0xb8;
	[tilespmem:$0x18800] =	vst v63  }
0x2c: {  	s24 =	simm.s32 $0x3000  }
0x2d: {  	[tilespmem:s24], [sflag:$0x1] =	stream.indirect_vreg.gather [hbm4b:s11+s3], $0x80, v4, vm0, $0xb8;
	[tilespmem:$0x18800] =	vst v63  }
0x2e: {  	s25 =	simm.s32 $0x3800  }
0x2f: {  	[tilespmem:s25], [sflag:$0x1] =	stream.indirect_vreg.gather [hbm4b:s12+s3], $0x80, v4, vm0, $0xb8;
	[tilespmem:$0x18800] =	vst v63  }
0x30: {  	s22 =	simm.s32 $0x4000  }
0x31: {  	[tilespmem:s22], [sflag:$0x1] =	stream.indirect_vreg.gather [hbm4b:s13+s3], $0x80, v4, vm0, $0xb8;
	[tilespmem:$0x18800] =	vst v63  }
0x32: {  	s23 =	simm.s32 $0x4800  }
0x33: {  	[tilespmem:s23], [sflag:$0x1] =	stream.indirect_vreg.gather [hbm4b:s14+s3], $0x80, v4, vm0, $0xb8;
	[tilespmem:$0x18800] =	vst v63  }
0x34: {  	v3 =	vperm.xlane v3, v2;
	s24 =	simm.s32 $0x5000  }
0x35: {  	[tilespmem:s24], [sflag:$0x1] =	stream.indirect_vreg.gather [hbm4b:s15+s3], $0x80, v4, vm0, $0xb8;
	[tilespmem:$0x18800] =	vst v63  }
0x36: {  	v3 =	vadd.s32 v1, v3;
	s25 =	simm.s32 $0x5800  }
0x37: {  	[tilespmem:s25], [sflag:$0x1] =	stream.indirect_vreg.gather [hbm4b:s16+s3], $0x80, v4, vm0, $0xb8;
	[tilespmem:$0x18800] =	vst v63  }
0x38: {  	s22 =	simm.s32 $0x6000  }
0x39: {  	[tilespmem:s22], [sflag:$0x1] =	stream.indirect_vreg.gather [hbm4b:s17+s3], $0x80, v4, vm0, $0xb8;
	[tilespmem:$0x18800] =	vst v63  }
0x3a: {  	s23 =	simm.s32 $0x6800  }
0x3b: {  	[tilespmem:s23], [sflag:$0x1] =	stream.indirect_vreg.gather [hbm4b:s2+s3], $0x80, v3, vm0, $0xb8;
	[tilespmem:$0x18800] =	vst v63  }
0x3c: {  	s24 =	simm.s32 $0x7000  }
0x3d: {  	[tilespmem:s24], [sflag:$0x1] =	stream.indirect_vreg.gather [hbm4b:s7+s3], $0x80, v3, vm0, $0xb8;
	[tilespmem:$0x18800] =	vst v63  }
0x3e: {  	s25 =	simm.s32 $0x7800  }
0x3f: {  	[tilespmem:s25], [sflag:$0x1] =	stream.indirect_vreg.gather [hbm4b:s8+s3], $0x80, v3, vm0, $0xb8;
	[tilespmem:$0x18800] =	vst v63  }
0x40: {  	s22 =	simm.s32 $0x8000  }
0x41: {  	[tilespmem:s22], [sflag:$0x1] =	stream.indirect_vreg.gather [hbm4b:s9+s3], $0x80, v3, vm0, $0xb8;
	[tilespmem:$0x18800] =	vst v63  }
0x42: {  	s23 =	simm.s32 $0x8800  }
0x43: {  	[tilespmem:s23], [sflag:$0x1] =	stream.indirect_vreg.gather [hbm4b:s10+s3], $0x80, v3, vm0, $0xb8;
	[tilespmem:$0x18800] =	vst v63  }
0x44: {  	s24 =	simm.s32 $0x9000  }
0x45: {  	[tilespmem:s24], [sflag:$0x1] =	stream.indirect_vreg.gather [hbm4b:s11+s3], $0x80, v3, vm0, $0xb8;
	[tilespmem:$0x18800] =	vst v63  }
0x46: {  	s25 =	simm.s32 $0x9800  }
0x47: {  	[tilespmem:s25], [sflag:$0x1] =	stream.indirect_vreg.gather [hbm4b:s12+s3], $0x80, v3, vm0, $0xb8;
	[tilespmem:$0x18800] =	vst v63  }
0x48: {  	_ = 	snop  }
0x49: {  	[tilespmem:s26], [sflag:$0x1] =	stream.indirect_vreg.gather [hbm4b:s13+s3], $0x80, v3, vm0, $0xb8;
	[tilespmem:$0x18800] =	vst v63  }
0x4a: {  	_ = 	snop  }
0x4b: {  	[tilespmem:s28], [sflag:$0x1] =	stream.indirect_vreg.gather [hbm4b:s14+s3], $0x80, v3, vm0, $0xb8;
	[tilespmem:$0x18800] =	vst v63  }
0x4c: {  	_ = 	snop  }
0x4d: {  	[tilespmem:s29], [sflag:$0x1] =	stream.indirect_vreg.gather [hbm4b:s15+s3], $0x80, v3, vm0, $0xb8;
	[tilespmem:$0x18800] =	vst v63  }
.Ltmp2:
0x4e: {  	_ = 	snop;
	(pc) =	sbr.rel .LBB2_2-.Ltmp2, $4  }
0x4f: {  	_ = 	snop  }
0x50: {  	[tilespmem:s30], [sflag:$0x1] =	stream.indirect_vreg.gather [hbm4b:s16+s3], $0x80, v3, vm0, $0xb8;
	[tilespmem:$0x18800] =	vst v63  }
0x51: {  	s21 =	simm.s32 $0x0  }
0x52: {  	[tilespmem:s31], [sflag:$0x1] =	stream.indirect_vreg.gather [hbm4b:s17+s3], $0x80, v3, vm0, $0xb8;
	[tilespmem:$0x18800] =	vst v63  }
.LBB2_4:
0x53: {  	s21 =	sshll.u32 s21, $0x1  }
0x54: {  	s23 =	smul.u32 $0x30000, s23;
	s21 =	sor.u32 s5, s21  }
0x55: {  	p0 =	slt.u32 s22, $0x10;
	s21 =	smul.u32 $0xC00, s21  }
.Ltmp3:
0x56: {  	_ =	swait.ge [sflag:s0], $0xC000;
	(pc) =	sbr.rel @!p0 .LBB2_5-.Ltmp3, $4  }
0x57: {  	[sflag:s0] =	ssyncset.done $0x0;
	s23 =	sshrl.u32 s23, $0x2  }
0x58: {  	[sflag:s0] =	ssyncadd.s32 $0xFFFF4000;
	s23 =	sor.u32 $0x800, s23;
	s21 =	sadd.s32 s4, s21  }
0x59: {  	[hbm4b:s21+s3] =	stream.linear.scatter [tilespmem:s23], [sflag:$0x2], $0xC000, $0x38;
	[tilespmem:$0x18800] =	vst v63  }
0x5a: {  	s21 =	smov.u32 s22  }
.LBB2_2:
0x5b: {  	p0 =	seq.s32 s21, $0x0  }
0x5c: {  	p1 =	seq.s32 @!p0 s21, $0xF  }
0x5d: {  	p1 =	por p0, !p1  }
.Ltmp4:
0x5e: {  	_ = 	snop;
	(pc) =	sbr.rel @!p1 .LBB2_4-.Ltmp4, $4  }
0x5f: {  	s22 =	simm.s32 @!p0 $0x2  }
0x60: {  	_ =	swait.ge @!p0 [sflag:s22], $0xC000  }
0x61: {  	[sflag:s22] =	ssyncset.done @!p0 $0x0  }
0x62: {  	s23 =	sand.u32 $0x1, s21;
	[sflag:s22] =	ssyncadd.s32 @!p0 $0xFFFF4000;
	s22 =	simm.s32 @!p0 $0x10  }
0x63: {  	s22 =	sadd.s32 @!p0 $0x1, s21  }
0x64: {  	s22 =	simm.s32 @p0 $0x1  }
0x65: {  	s24 =	sshll.u32 s22, $0x7  }
0x66: {  	s24 =	sand.u32 $0x3FFFFF80, s24  }
0x67: {  	v3 =	vld [tilespmem:s24+$0x0];
	_ =	sdelay $0x4  }
0x68: {  	v4 =	vshrl.u32 v3, $0x3  }
0x69: {  	v4 =	vmul.u32 $0xC0, v4  }
0x6a: {  	v3 =	vand.u32 $0x7, v3  }
0x6b: {  	v3 =	vor.u32 v3, v4  }
0x6c: {  	v4 =	vperm.xlane v3, v0;
	_ =	sdelay $0x1  }
0x6d: {  	s25 =	sxor.u32 $0x1, s23;
	v4 =	vadd.s32 v1, v4  }
0x6e: {  	s24 =	smul.u32 $0x30000, s25;
	_ =	sdelay $0x1  }
0x6f: {  	s24 =	sshrl.u32 s24, $0x2  }
0x70: {  	s25 =	sor.u32 $0x800, s24  }
0x71: {  	[tilespmem:s25], [sflag:$0x1] =	stream.indirect_vreg.gather [hbm4b:s2+s3], $0x80, v4, vm0, $0xb8;
	[tilespmem:$0x18800] =	vst v63  }
0x72: {  	s25 =	sor.u32 $0x1000, s24  }
0x73: {  	[tilespmem:s25], [sflag:$0x1] =	stream.indirect_vreg.gather [hbm4b:s7+s3], $0x80, v4, vm0, $0xb8;
	[tilespmem:$0x18800] =	vst v63  }
0x74: {  	s25 =	sor.u32 $0x1800, s24  }
0x75: {  	[tilespmem:s25], [sflag:$0x1] =	stream.indirect_vreg.gather [hbm4b:s8+s3], $0x80, v4, vm0, $0xb8;
	[tilespmem:$0x18800] =	vst v63  }
0x76: {  	s25 =	sor.u32 $0x2000, s24  }
0x77: {  	[tilespmem:s25], [sflag:$0x1] =	stream.indirect_vreg.gather [hbm4b:s9+s3], $0x80, v4, vm0, $0xb8;
	[tilespmem:$0x18800] =	vst v63  }
0x78: {  	s25 =	sor.u32 $0x2800, s24  }
0x79: {  	[tilespmem:s25], [sflag:$0x1] =	stream.indirect_vreg.gather [hbm4b:s10+s3], $0x80, v4, vm0, $0xb8;
	[tilespmem:$0x18800] =	vst v63  }
0x7a: {  	s25 =	sor.u32 $0x3000, s24  }
0x7b: {  	[tilespmem:s25], [sflag:$0x1] =	stream.indirect_vreg.gather [hbm4b:s11+s3], $0x80, v4, vm0, $0xb8;
	[tilespmem:$0x18800] =	vst v63  }
0x7c: {  	s25 =	sor.u32 $0x3800, s24  }
0x7d: {  	[tilespmem:s25], [sflag:$0x1] =	stream.indirect_vreg.gather [hbm4b:s12+s3], $0x80, v4, vm0, $0xb8;
	[tilespmem:$0x18800] =	vst v63  }
0x7e: {  	s25 =	sadd.s32 $0x4000, s24  }
0x7f: {  	[tilespmem:s25], [sflag:$0x1] =	stream.indirect_vreg.gather [hbm4b:s13+s3], $0x80, v4, vm0, $0xb8;
	[tilespmem:$0x18800] =	vst v63  }
0x80: {  	s25 =	sadd.s32 $0x4800, s24  }
0x81: {  	[tilespmem:s25], [sflag:$0x1] =	stream.indirect_vreg.gather [hbm4b:s14+s3], $0x80, v4, vm0, $0xb8;
	[tilespmem:$0x18800] =	vst v63  }
0x82: {  	v3 =	vperm.xlane v3, v2;
	s25 =	sadd.s32 $0x5000, s24  }
0x83: {  	[tilespmem:s25], [sflag:$0x1] =	stream.indirect_vreg.gather [hbm4b:s15+s3], $0x80, v4, vm0, $0xb8;
	[tilespmem:$0x18800] =	vst v63  }
0x84: {  	v3 =	vadd.s32 v1, v3;
	s25 =	sadd.s32 $0x5800, s24  }
0x85: {  	[tilespmem:s25], [sflag:$0x1] =	stream.indirect_vreg.gather [hbm4b:s16+s3], $0x80, v4, vm0, $0xb8;
	[tilespmem:$0x18800] =	vst v63  }
0x86: {  	s25 =	sadd.s32 $0x6000, s24  }
0x87: {  	[tilespmem:s25], [sflag:$0x1] =	stream.indirect_vreg.gather [hbm4b:s17+s3], $0x80, v4, vm0, $0xb8;
	[tilespmem:$0x18800] =	vst v63  }
0x88: {  	s25 =	sadd.s32 $0x6800, s24  }
0x89: {  	[tilespmem:s25], [sflag:$0x1] =	stream.indirect_vreg.gather [hbm4b:s2+s3], $0x80, v3, vm0, $0xb8;
	[tilespmem:$0x18800] =	vst v63  }
0x8a: {  	s25 =	sadd.s32 $0x7000, s24  }
0x8b: {  	[tilespmem:s25], [sflag:$0x1] =	stream.indirect_vreg.gather [hbm4b:s7+s3], $0x80, v3, vm0, $0xb8;
	[tilespmem:$0x18800] =	vst v63  }
0x8c: {  	s25 =	sadd.s32 $0x7800, s24  }
0x8d: {  	[tilespmem:s25], [sflag:$0x1] =	stream.indirect_vreg.gather [hbm4b:s8+s3], $0x80, v3, vm0, $0xb8;
	[tilespmem:$0x18800] =	vst v63  }
0x8e: {  	s25 =	sadd.s32 $0x8000, s24  }
0x8f: {  	[tilespmem:s25], [sflag:$0x1] =	stream.indirect_vreg.gather [hbm4b:s9+s3], $0x80, v3, vm0, $0xb8;
	[tilespmem:$0x18800] =	vst v63  }
0x90: {  	s25 =	sadd.s32 $0x8800, s24  }
0x91: {  	[tilespmem:s25], [sflag:$0x1] =	stream.indirect_vreg.gather [hbm4b:s10+s3], $0x80, v3, vm0, $0xb8;
	[tilespmem:$0x18800] =	vst v63  }
0x92: {  	s25 =	sadd.s32 $0x9000, s24  }
0x93: {  	[tilespmem:s25], [sflag:$0x1] =	stream.indirect_vreg.gather [hbm4b:s11+s3], $0x80, v3, vm0, $0xb8;
	[tilespmem:$0x18800] =	vst v63  }
0x94: {  	s25 =	sadd.s32 $0x9800, s24  }
0x95: {  	[tilespmem:s25], [sflag:$0x1] =	stream.indirect_vreg.gather [hbm4b:s12+s3], $0x80, v3, vm0, $0xb8;
	[tilespmem:$0x18800] =	vst v63  }
0x96: {  	s25 =	sadd.s32 $0xA000, s24  }
0x97: {  	[tilespmem:s25], [sflag:$0x1] =	stream.indirect_vreg.gather [hbm4b:s13+s3], $0x80, v3, vm0, $0xb8;
	[tilespmem:$0x18800] =	vst v63  }
0x98: {  	s25 =	sadd.s32 $0xA800, s24  }
0x99: {  	[tilespmem:s25], [sflag:$0x1] =	stream.indirect_vreg.gather [hbm4b:s14+s3], $0x80, v3, vm0, $0xb8;
	[tilespmem:$0x18800] =	vst v63  }
0x9a: {  	s25 =	sadd.s32 $0xB000, s24  }
0x9b: {  	[tilespmem:s25], [sflag:$0x1] =	stream.indirect_vreg.gather [hbm4b:s15+s3], $0x80, v3, vm0, $0xb8;
	[tilespmem:$0x18800] =	vst v63  }
.Ltmp5:
0x9c: {  	_ = 	snop;
	(pc) =	sbr.rel .LBB2_4-.Ltmp5, $4  }
0x9d: {  	s25 =	sadd.s32 $0xB800, s24  }
0x9e: {  	[tilespmem:s25], [sflag:$0x1] =	stream.indirect_vreg.gather [hbm4b:s16+s3], $0x80, v3, vm0, $0xb8;
	[tilespmem:$0x18800] =	vst v63  }
0x9f: {  	s24 =	sadd.s32 $0xC000, s24  }
0xa0: {  	[tilespmem:s24], [sflag:$0x1] =	stream.indirect_vreg.gather [hbm4b:s17+s3], $0x80, v3, vm0, $0xb8;
	[tilespmem:$0x18800] =	vst v63  }
.LBB2_6:
0xa1: {  	_ =	sfence.sel $0x180000  }
0xa2: {  	[bflag:$0x0] =	sbarrier.arrive $0xFFFF  }
0xa3: {  	_ =	strace $0x9000004A  }
0xa4: {  	s0 =	stileid.u32;
	[bflag:$0x2] =	sbarrier.arrive $0xFFFF  }
0xa5: {  	p0 =	sne.s32 s0, $0x0;
	s0 =	rddreg [dreg:$0x2]  }
0xa6: {  	s0 =	sadd.s32 @!p0 $0x100000, s0  }
0xa7: {  	[sflag:s0] =	ssyncadd.tile.s32 @!p0 $0x1;
	_ =	shalt  }
.Lfunc_end2:
_tile_overlayer_lowered:
.L_overlay_start_2:
0xa8: {  	(tag) =	ssettag $0x2  }
0xa9: {  	s0 =	rddreg [dreg:$0x0];
	s2 =	stileid.u32  }
0xaa: {  	s1 =	rddreg [dreg:$0x1];
	p0 =	sne.s32 s2, $0x0  }
0xab: {  	s3 =	rddreg [dreg:$0x2];
	[bflag:$0x3] =	sbarrier.arrive $0xFFFF;
	s2 =	simm.s32 @!p0 $0x1C03  }
0xac: {  	[timem:s3], [sflag:s2] =	dma.local @!p0 [hbm:s0], s1  }
0xad: {  	s0 =	simm.s32 @!p0 $0x3  }
0xae: {  	_ =	swait.ge @!p0 [sflag:s0], s1  }
0xaf: {  	s1 =	ssub.s32 @!p0 $0x0, s1;
	[sflag:s0] =	ssyncset.done @!p0 $0x0  }
0xb0: {  	[sflag:s0] =	ssyncadd.s32 @!p0 s1  }
0xb1: {  	[bflag:$0x3] =	sbarrier.arrive $0xFFFF  }
0xb2: {  	_ =	shalt  }

</sc_bundles>
